<compile_context>
chip_gen: v7x
topology: tpu7x:2x2x1
jax: 0.10.2.dev20260603
libtpu: 0.0.44.dev20260713+nightly
codegen_flags: <defaults>
</compile_context>

<pallas_src>
import functools

import jax
import jax.numpy as jnp
from jax import lax
from jax.experimental import pallas as pl
from jax.experimental.pallas import tpu as pltpu
from jax.experimental.pallas import tpu_sc as plsc

NC = 2
NS = 16
NW = NC * NS
L = 16

B = 16384
D = 64
NPW = B // NW
HALF = NPW // 2

_mesh = functools.partial(
    plsc.VectorSubcoreMesh, core_axis_name="c", subcore_axis_name="s"
)

_params_finish = pltpu.CompilerParams(
    use_tc_tiling_on_sc=False, needs_layout_passes=False
)


W = 1024


def _make_repack(n_rows):
    grid = (n_rows + 2 * W - 1) // (2 * W)

    def body(in_ref, out_ref):
        x = in_ref[...]
        out_ref[...] = jnp.concatenate(
            [x[:, :W].T, x[:, W:].T], axis=1
        )

    return pl.pallas_call(
        body,
        grid=(grid,),
        in_specs=[pl.BlockSpec((D, 2 * W), lambda i: (0, i))],
        out_specs=pl.BlockSpec((W, 2 * D), lambda i: (i, 0)),
        out_shape=jax.ShapeDtypeStruct((grid * W, 2 * D), jnp.float32),
    )


_repack_user = _make_repack(100000)
_repack_song = _make_repack(1000000)


@functools.partial(
    pl.kernel,
    out_type=jax.ShapeDtypeStruct((NW * L,), jnp.float32),
    mesh=_mesh(),
    scratch_types=[
        pltpu.VMEM((NPW,), jnp.int32),
        pltpu.VMEM((NPW,), jnp.int32),
        pltpu.VMEM((NPW,), jnp.int32),
        pltpu.VMEM((NPW,), jnp.int32),
        pltpu.VMEM((HALF, 2 * D), jnp.float32),
        pltpu.VMEM((HALF, 2 * D), jnp.float32),
        pltpu.VMEM((L,), jnp.float32),
        pltpu.SemaphoreType.DMA,
        pltpu.SemaphoreType.DMA,
    ],
)
def _gather_dot(ugidx_hbm, sgidx_hbm, uoff_hbm, soff_hbm, u2_hbm, s2_hbm,
                part_out,
                ugidx_v, sgidx_v, uoff_v, soff_v, urows_v, srows_v, acc_v,
                sem_u, sem_s):
    wid = lax.axis_index("s") * NC + lax.axis_index("c")
    base = wid * NPW

    pltpu.sync_copy(ugidx_hbm.at[pl.ds(base, NPW)], ugidx_v)
    pltpu.sync_copy(sgidx_hbm.at[pl.ds(base, NPW)], sgidx_v)
    pltpu.sync_copy(uoff_hbm.at[pl.ds(base, NPW)], uoff_v)
    pltpu.sync_copy(soff_hbm.at[pl.ds(base, NPW)], soff_v)

    def half_dot(h, acc):
        rbase = h * HALF
        cp_u = pltpu.async_copy(
            u2_hbm.at[ugidx_v.at[pl.ds(rbase, HALF)]], urows_v, sem_u)
        cp_s = pltpu.async_copy(
            s2_hbm.at[sgidx_v.at[pl.ds(rbase, HALF)]], srows_v, sem_s)
        cp_u.wait()
        cp_s.wait()

        def dot_body(g, a):
            uo16 = uoff_v[pl.ds(rbase + g * L, L)]
            so16 = soff_v[pl.ds(rbase + g * L, L)]
            for j in range(L):
                r = g * L + j
                uo = uo16[j]
                so = so16[j]
                for c in range(D // L):
                    a = a + (urows_v[r, pl.ds(uo + c * L, L)]
                             * srows_v[r, pl.ds(so + c * L, L)])
            return a

        return lax.fori_loop(0, HALF // L, dot_body, acc)

    acc = lax.fori_loop(0, 2, half_dot, jnp.zeros((L,), jnp.float32))
    acc_v[...] = acc
    pltpu.sync_copy(acc_v, part_out.at[pl.ds(wid * L, L)])


@functools.partial(
    pl.kernel,
    out_type=jax.ShapeDtypeStruct((B,), jnp.float32),
    mesh=_mesh(),
    scratch_types=[
        pltpu.VMEM((NW * L,), jnp.float32),
        pltpu.VMEM((NPW,), jnp.int32),
        pltpu.VMEM((NPW,), jnp.int32),
        pltpu.VMEM((NPW,), jnp.float32),
        pltpu.VMEM((NPW,), jnp.float32),
        pltpu.SemaphoreType.DMA,
        pltpu.SemaphoreType.DMA,
    ],
    compiler_params=_params_finish,
)
def _finish(part_hbm, uidx_hbm, sidx_hbm, ubias_hbm, sbias_hbm, out_hbm,
            part_v, uidx_v, sidx_v, ub_v, sb_v, sem_ub, sem_sb):
    wid = lax.axis_index("s") * NC + lax.axis_index("c")
    base = wid * NPW

    pltpu.sync_copy(uidx_hbm.at[pl.ds(base, NPW)], uidx_v)
    pltpu.sync_copy(sidx_hbm.at[pl.ds(base, NPW)], sidx_v)
    cp_ub = pltpu.async_copy(ubias_hbm.at[uidx_v], ub_v, sem_ub)
    cp_sb = pltpu.async_copy(sbias_hbm.at[sidx_v], sb_v, sem_sb)

    pltpu.sync_copy(part_hbm, part_v)

    def red_body(i, acc):
        return acc + part_v[pl.ds(i * L, L)]

    acc = lax.fori_loop(0, NW, red_body, jnp.zeros((L,), jnp.float32))
    total = jnp.sum(acc)

    cp_ub.wait()
    cp_sb.wait()

    def sig_body(i, _):
        s = pl.ds(i * L, L)
        x = ub_v[s] + sb_v[s] + total
        ub_v[s] = 1.0 / (1.0 + jnp.exp(-x))
        return 0

    lax.fori_loop(0, NPW // L, sig_body, 0)
    pltpu.sync_copy(ub_v, out_hbm.at[pl.ds(base, NPW)])


def kernel(inputs, user_emb, user_bias, song_emb, song_bias):
    u_idx = inputs[:, 0].astype(jnp.int32)
    s_idx = inputs[:, 1].astype(jnp.int32)

    u2 = _repack_user(user_emb.T)
    s2 = _repack_song(song_emb.T)

    ugidx = ((u_idx >> 11) << 10) + (u_idx & (W - 1))
    uoff = ((u_idx >> 10) & 1) * D
    sgidx = ((s_idx >> 11) << 10) + (s_idx & (W - 1))
    soff = ((s_idx >> 10) & 1) * D

    part = _gather_dot(ugidx, sgidx, uoff, soff, u2, s2)
    out = _finish(part, u_idx, s_idx,
                  user_bias.reshape(-1), song_bias.reshape(-1))
    return out.reshape(B, 1)

# --- scband reference (transcript-rebuilt; emitter-appended) ---
"""Pipeline reference for scband-recommender-net-64106681860181 (READ-ONLY COPY).

The authoritative reference and input builder live on the scoring server;
editing this copy changes nothing except your own understanding.
"""

import jax, jax.numpy as jnp
import numpy as np

NUM_USERS = 100000
NUM_SONGS = 1000000
EMBED = 64
BATCH = 16384

def setup_inputs(seed: int = 0) -> dict:
    key = jax.random.key(seed)
    k1, k2, k3, k4, k5 = jax.random.split(key, 5)
    # indices: col 0 = user id, col 1 = song id; keep all values < NUM_USERS (also < NUM_SONGS)
    inputs = jax.random.randint(k1, (BATCH, 2), 0, 100000, dtype=jnp.int64)
    # he_normal-ish initializers for embedding tables
    user_emb = jax.random.normal(k2, (NUM_USERS, EMBED), dtype=jnp.float32) * np.sqrt(2.0 / EMBED)
    user_bias = jax.random.normal(k3, (NUM_USERS, 1), dtype=jnp.float32) * 0.01
    song_emb = jax.random.normal(k4, (NUM_SONGS, EMBED), dtype=jnp.float32) * np.sqrt(2.0 / EMBED)
    song_bias = jax.random.normal(k5, (NUM_SONGS, 1), dtype=jnp.float32) * 0.01
    return {"inputs": inputs, "user_emb": user_emb, "user_bias": user_bias,
            "song_emb": song_emb, "song_bias": song_bias}

def reference(inputs, user_emb, user_bias, song_emb, song_bias):
    u_idx = inputs[:, 0]
    s_idx = inputs[:, 1]
    user_vector = jnp.take(user_emb, u_idx, axis=0)     # [B, D]
    u_bias = jnp.take(user_bias, u_idx, axis=0)         # [B, 1]
    song_vector = jnp.take(song_emb, s_idx, axis=0)     # [B, D]
    s_bias = jnp.take(song_bias, s_idx, axis=0)         # [B, 1]
    # Faithful to tf.tensordot(user_vector, song_vector, 2): full contraction over
    # both axes -> scalar (this is exactly what the original Keras code computes).
    dot_user_song = jnp.tensordot(user_vector, song_vector, axes=2)  # scalar
    x = dot_user_song + u_bias + s_bias                 # [B, 1] via broadcast
    return jax.nn.sigmoid(x)

if __name__ == "__main__":
    import jax
    _d = setup_inputs()
    print(jax.jit(kernel)(*tuple(_d.values())))

</pallas_src>

<mosaic_0001>
#map = affine_map<(d0, d1) -> (0)>
#map1 = affine_map<(d0, d1) -> (0, 0)>
module attributes {stable_mosaic.version = 14 : i64} {
  func.func @_gather_dot(%arg0: i32, %arg1: i32, %arg2: memref<16384xi32, #tpu.memory_space<hbm>>, %arg3: memref<16384xi32, #tpu.memory_space<hbm>>, %arg4: memref<16384xi32, #tpu.memory_space<hbm>>, %arg5: memref<16384xi32, #tpu.memory_space<hbm>>, %arg6: memref<50176x128xf32, #tpu.memory_space<hbm>>, %arg7: memref<500736x128xf32, #tpu.memory_space<hbm>>, %arg8: memref<512xf32, #tpu.memory_space<hbm>>, %arg9: memref<512xi32, #tpu.memory_space<vmem>>, %arg10: memref<512xi32, #tpu.memory_space<vmem>>, %arg11: memref<512xi32, #tpu.memory_space<vmem>>, %arg12: memref<512xi32, #tpu.memory_space<vmem>>, %arg13: memref<256x128xf32, #tpu.memory_space<vmem>>, %arg14: memref<256x128xf32, #tpu.memory_space<vmem>>, %arg15: memref<16xf32, #tpu.memory_space<vmem>>, %arg16: memref<!tpu.dma_semaphore, #tpu.memory_space<semaphore_mem>>, %arg17: memref<!tpu.dma_semaphore, #tpu.memory_space<semaphore_mem>>) attributes {dimension_semantics = [#tpu.dimension_semantics<core_parallel>, #tpu.dimension_semantics<subcore_parallel>], iteration_bounds = array<i64: 2, 16>, scalar_prefetch = 0 : i64, scratch_operands = 9 : i64, tpu.core_type = #tpu.core_type<sc_vector_subcore>, window_params = [{transform_indices = #map}, {transform_indices = #map}, {transform_indices = #map}, {transform_indices = #map}, {transform_indices = #map1}, {transform_indices = #map1}, {transform_indices = #map}]} {
    %mul3A = arith.constant 2 : i32
    %mul3A_0 = arith.muli %arg1, %mul3A : i32
    %add3A = arith.addi %mul3A_0, %arg0 : i32
    %mul3A_1 = arith.constant 512 : i32
    %mul3A_2 = arith.muli %add3A, %mul3A_1 : i32
    "tpu.region"() ({
      %run_scoped3A = tpu.sem_alloc : memref<!tpu.dma_semaphore, #tpu.memory_space<semaphore_mem>>
      %dma_start3A = tpu.memref_slice %arg2[%mul3A_2] : memref<16384xi32, #tpu.memory_space<hbm>> -> memref<512xi32, #tpu.memory_space<hbm>>
      %dma_start3A_14 = tpu.memref_slice %arg2[%mul3A_2] : memref<16384xi32, #tpu.memory_space<hbm>> -> memref<512xi32, #tpu.memory_space<hbm>>
      tpu.enqueue_dma source(%dma_start3A_14 : memref<512xi32, #tpu.memory_space<hbm>>) target(%arg9 : memref<512xi32, #tpu.memory_space<vmem>>) target_semaphore(%run_scoped3A : memref<!tpu.dma_semaphore, #tpu.memory_space<semaphore_mem>>)
      %dma_wait3A = tpu.memref_slice %arg2[%mul3A_2] : memref<16384xi32, #tpu.memory_space<hbm>> -> memref<512xi32, #tpu.memory_space<hbm>>
      %dma_wait3A_15 = tpu.memref_slice %arg2[%mul3A_2] : memref<16384xi32, #tpu.memory_space<hbm>> -> memref<512xi32, #tpu.memory_space<hbm>>
      tpu.wait_dma2 semaphore(%run_scoped3A : memref<!tpu.dma_semaphore, #tpu.memory_space<semaphore_mem>>) src(%dma_wait3A_15 : memref<512xi32, #tpu.memory_space<hbm>>) dst(%arg9 : memref<512xi32, #tpu.memory_space<vmem>>)
      tpu.yield
    }) : () -> ()
    "tpu.region"() ({
      %run_scoped3A = tpu.sem_alloc : memref<!tpu.dma_semaphore, #tpu.memory_space<semaphore_mem>>
      %dma_start3A = tpu.memref_slice %arg3[%mul3A_2] : memref<16384xi32, #tpu.memory_space<hbm>> -> memref<512xi32, #tpu.memory_space<hbm>>
      %dma_start3A_14 = tpu.memref_slice %arg3[%mul3A_2] : memref<16384xi32, #tpu.memory_space<hbm>> -> memref<512xi32, #tpu.memory_space<hbm>>
      tpu.enqueue_dma source(%dma_start3A_14 : memref<512xi32, #tpu.memory_space<hbm>>) target(%arg10 : memref<512xi32, #tpu.memory_space<vmem>>) target_semaphore(%run_scoped3A : memref<!tpu.dma_semaphore, #tpu.memory_space<semaphore_mem>>)
      %dma_wait3A = tpu.memref_slice %arg3[%mul3A_2] : memref<16384xi32, #tpu.memory_space<hbm>> -> memref<512xi32, #tpu.memory_space<hbm>>
      %dma_wait3A_15 = tpu.memref_slice %arg3[%mul3A_2] : memref<16384xi32, #tpu.memory_space<hbm>> -> memref<512xi32, #tpu.memory_space<hbm>>
      tpu.wait_dma2 semaphore(%run_scoped3A : memref<!tpu.dma_semaphore, #tpu.memory_space<semaphore_mem>>) src(%dma_wait3A_15 : memref<512xi32, #tpu.memory_space<hbm>>) dst(%arg10 : memref<512xi32, #tpu.memory_space<vmem>>)
      tpu.yield
    }) : () -> ()
    "tpu.region"() ({
      %run_scoped3A = tpu.sem_alloc : memref<!tpu.dma_semaphore, #tpu.memory_space<semaphore_mem>>
      %dma_start3A = tpu.memref_slice %arg4[%mul3A_2] : memref<16384xi32, #tpu.memory_space<hbm>> -> memref<512xi32, #tpu.memory_space<hbm>>
      %dma_start3A_14 = tpu.memref_slice %arg4[%mul3A_2] : memref<16384xi32, #tpu.memory_space<hbm>> -> memref<512xi32, #tpu.memory_space<hbm>>
      tpu.enqueue_dma source(%dma_start3A_14 : memref<512xi32, #tpu.memory_space<hbm>>) target(%arg11 : memref<512xi32, #tpu.memory_space<vmem>>) target_semaphore(%run_scoped3A : memref<!tpu.dma_semaphore, #tpu.memory_space<semaphore_mem>>)
      %dma_wait3A = tpu.memref_slice %arg4[%mul3A_2] : memref<16384xi32, #tpu.memory_space<hbm>> -> memref<512xi32, #tpu.memory_space<hbm>>
      %dma_wait3A_15 = tpu.memref_slice %arg4[%mul3A_2] : memref<16384xi32, #tpu.memory_space<hbm>> -> memref<512xi32, #tpu.memory_space<hbm>>
      tpu.wait_dma2 semaphore(%run_scoped3A : memref<!tpu.dma_semaphore, #tpu.memory_space<semaphore_mem>>) src(%dma_wait3A_15 : memref<512xi32, #tpu.memory_space<hbm>>) dst(%arg11 : memref<512xi32, #tpu.memory_space<vmem>>)
      tpu.yield
    }) : () -> ()
    "tpu.region"() ({
      %run_scoped3A = tpu.sem_alloc : memref<!tpu.dma_semaphore, #tpu.memory_space<semaphore_mem>>
      %dma_start3A = tpu.memref_slice %arg5[%mul3A_2] : memref<16384xi32, #tpu.memory_space<hbm>> -> memref<512xi32, #tpu.memory_space<hbm>>
      %dma_start3A_14 = tpu.memref_slice %arg5[%mul3A_2] : memref<16384xi32, #tpu.memory_space<hbm>> -> memref<512xi32, #tpu.memory_space<hbm>>
      tpu.enqueue_dma source(%dma_start3A_14 : memref<512xi32, #tpu.memory_space<hbm>>) target(%arg12 : memref<512xi32, #tpu.memory_space<vmem>>) target_semaphore(%run_scoped3A : memref<!tpu.dma_semaphore, #tpu.memory_space<semaphore_mem>>)
      %dma_wait3A = tpu.memref_slice %arg5[%mul3A_2] : memref<16384xi32, #tpu.memory_space<hbm>> -> memref<512xi32, #tpu.memory_space<hbm>>
      %dma_wait3A_15 = tpu.memref_slice %arg5[%mul3A_2] : memref<16384xi32, #tpu.memory_space<hbm>> -> memref<512xi32, #tpu.memory_space<hbm>>
      tpu.wait_dma2 semaphore(%run_scoped3A : memref<!tpu.dma_semaphore, #tpu.memory_space<semaphore_mem>>) src(%dma_wait3A_15 : memref<512xi32, #tpu.memory_space<hbm>>) dst(%arg12 : memref<512xi32, #tpu.memory_space<vmem>>)
      tpu.yield
    }) : () -> ()
    %broadcast_in_dim3A = arith.constant 0.000000e+00 : f32
    %broadcast_in_dim3A_3 = vector.broadcast %broadcast_in_dim3A : f32 to vector<16xf32>
    %scan3A = arith.constant 0 : i32
    %scan3A_4 = arith.constant 2 : i32
    %scan3A_5 = arith.addi %scan3A, %scan3A_4 : i32
    %scan3A_6 = arith.constant 1 : i32
    %scan3A_7 = scf.for %scan3A_14 = %scan3A to %scan3A_5 step %scan3A_6 iter_args(%scan3A_15 = %broadcast_in_dim3A_3) -> (vector<16xf32>)  : i32 {
      %mul3A_16 = arith.constant 256 : i32
      %mul3A_17 = arith.muli %scan3A_14, %mul3A_16 : i32
      %dma_start3A = tpu.memref_slice %arg9[%mul3A_17] : memref<512xi32, #tpu.memory_space<vmem>> -> memref<256xi32, #tpu.memory_space<vmem>>
      %dma_start3A_18 = arith.constant 0 : i32
      %dma_start3A_19 = arith.constant 0 : i32
      %dma_start3A_20 = tpu.memref_slice %arg6[%dma_start3A_18, %dma_start3A_19] : memref<50176x128xf32, #tpu.memory_space<hbm>> -> memref<50176x128xf32, #tpu.memory_space<hbm>>
      tpu.enqueue_indirect_dma source(%dma_start3A_20 : memref<50176x128xf32, #tpu.memory_space<hbm>>) target(%arg13 : memref<256x128xf32, #tpu.memory_space<vmem>>) offsets(%dma_start3A : memref<256xi32, #tpu.memory_space<vmem>>) semaphore(%arg16 : memref<!tpu.dma_semaphore, #tpu.memory_space<semaphore_mem>>)
      %dma_start3A_21 = tpu.memref_slice %arg10[%mul3A_17] : memref<512xi32, #tpu.memory_space<vmem>> -> memref<256xi32, #tpu.memory_space<vmem>>
      %dma_start3A_22 = arith.constant 0 : i32
      %dma_start3A_23 = arith.constant 0 : i32
      %dma_start3A_24 = tpu.memref_slice %arg7[%dma_start3A_22, %dma_start3A_23] : memref<500736x128xf32, #tpu.memory_space<hbm>> -> memref<500736x128xf32, #tpu.memory_space<hbm>>
      tpu.enqueue_indirect_dma source(%dma_start3A_24 : memref<500736x128xf32, #tpu.memory_space<hbm>>) target(%arg14 : memref<256x128xf32, #tpu.memory_space<vmem>>) offsets(%dma_start3A_21 : memref<256xi32, #tpu.memory_space<vmem>>) semaphore(%arg17 : memref<!tpu.dma_semaphore, #tpu.memory_space<semaphore_mem>>)
      %dma_wait3A = tpu.memref_slice %arg9[%mul3A_17] : memref<512xi32, #tpu.memory_space<vmem>> -> memref<256xi32, #tpu.memory_space<vmem>>
      %dma_wait3A_25 = arith.constant 0 : i32
      %dma_wait3A_26 = arith.constant 0 : i32
      %dma_wait3A_27 = tpu.memref_slice %arg6[%dma_wait3A_25, %dma_wait3A_26] : memref<50176x128xf32, #tpu.memory_space<hbm>> -> memref<50176x128xf32, #tpu.memory_space<hbm>>
      tpu.wait_indirect_dma semaphore(%arg16 : memref<!tpu.dma_semaphore, #tpu.memory_space<semaphore_mem>>) src(%dma_wait3A_27 : memref<50176x128xf32, #tpu.memory_space<hbm>>) dst(%arg13 : memref<256x128xf32, #tpu.memory_space<vmem>>)
      %dma_wait3A_28 = tpu.memref_slice %arg10[%mul3A_17] : memref<512xi32, #tpu.memory_space<vmem>> -> memref<256xi32, #tpu.memory_space<vmem>>
      %dma_wait3A_29 = arith.constant 0 : i32
      %dma_wait3A_30 = arith.constant 0 : i32
      %dma_wait3A_31 = tpu.memref_slice %arg7[%dma_wait3A_29, %dma_wait3A_30] : memref<500736x128xf32, #tpu.memory_space<hbm>> -> memref<500736x128xf32, #tpu.memory_space<hbm>>
      tpu.wait_indirect_dma semaphore(%arg17 : memref<!tpu.dma_semaphore, #tpu.memory_space<semaphore_mem>>) src(%dma_wait3A_31 : memref<500736x128xf32, #tpu.memory_space<hbm>>) dst(%arg14 : memref<256x128xf32, #tpu.memory_space<vmem>>)
      %scan3A_32 = arith.constant 0 : i32
      %scan3A_33 = arith.constant 16 : i32
      %scan3A_34 = arith.addi %scan3A_32, %scan3A_33 : i32
      %scan3A_35 = arith.constant 1 : i32
      %scan3A_36 = scf.for %scan3A_38 = %scan3A_32 to %scan3A_34 step %scan3A_35 iter_args(%scan3A_39 = %scan3A_15) -> (vector<16xf32>)  : i32 {
        %mul3A_40 = arith.constant 16 : i32
        %mul3A_41 = arith.muli %scan3A_38, %mul3A_40 : i32
        %add3A_42 = arith.addi %mul3A_17, %mul3A_41 : i32
        %get3A = arith.index_cast %add3A_42 : i32 to index
        %get3A_43 = tpu.vector_load %arg11[%get3A] {strides = array<i32>} : memref<512xi32, #tpu.memory_space<vmem>>, vector<16xi32>,
        %get3A_44 = vector.shape_cast %get3A_43 : vector<16xi32> to vector<16xi32>
        %mul3A_45 = arith.constant 16 : i32
        %mul3A_46 = arith.muli %scan3A_38, %mul3A_45 : i32
        %add3A_47 = arith.addi %mul3A_17, %mul3A_46 : i32
        %get3A_48 = arith.index_cast %add3A_47 : i32 to index
        %get3A_49 = tpu.vector_load %arg12[%get3A_48] {strides = array<i32>} : memref<512xi32, #tpu.memory_space<vmem>>, vector<16xi32>,
        %get3A_50 = vector.shape_cast %get3A_49 : vector<16xi32> to vector<16xi32>
        %mul3A_51 = arith.constant 16 : i32
        %mul3A_52 = arith.muli %scan3A_38, %mul3A_51 : i32
        %add3A_53 = arith.constant 0 : i32
        %add3A_54 = arith.addi %mul3A_52, %add3A_53 : i32
        %slice3A = vector.extract_strided_slice %get3A_44 {offsets = [0], sizes = [1], strides = [1]} : vector<16xi32> to vector<1xi32>
        %squeeze3A = vector.extract %slice3A[0] : i32 from vector<1xi32>
        %slice3A_55 = vector.extract_strided_slice %get3A_50 {offsets = [0], sizes = [1], strides = [1]} : vector<16xi32> to vector<1xi32>
        %squeeze3A_56 = vector.extract %slice3A_55[0] : i32 from vector<1xi32>
        %add3A_57 = arith.constant 0 : i32
        %add3A_58 = arith.addi %squeeze3A, %add3A_57 : i32
        %get3A_59 = arith.index_cast %add3A_54 : i32 to index
        %get3A_60 = arith.index_cast %add3A_58 : i32 to index
        %get3A_61 = tpu.vector_load %arg13[%get3A_59, %get3A_60] {strides = array<i32>} : memref<256x128xf32, #tpu.memory_space<vmem>>, vector<1x16xf32>,
        %get3A_62 = vector.shape_cast %get3A_61 : vector<1x16xf32> to vector<16xf32>
        %add3A_63 = arith.constant 0 : i32
        %add3A_64 = arith.addi %squeeze3A_56, %add3A_63 : i32
        %get3A_65 = arith.index_cast %add3A_54 : i32 to index
        %get3A_66 = arith.index_cast %add3A_64 : i32 to index
        %get3A_67 = tpu.vector_load %arg14[%get3A_65, %get3A_66] {strides = array<i32>} : memref<256x128xf32, #tpu.memory_space<vmem>>, vector<1x16xf32>,
        %get3A_68 = vector.shape_cast %get3A_67 : vector<1x16xf32> to vector<16xf32>
        %mul3A_69 = arith.mulf %get3A_62, %get3A_68 : vector<16xf32>
        %add3A_70 = arith.addf %scan3A_39, %mul3A_69 : vector<16xf32>
        %add3A_71 = arith.constant 16 : i32
        %add3A_72 = arith.addi %squeeze3A, %add3A_71 : i32
        %get3A_73 = arith.index_cast %add3A_54 : i32 to index
        %get3A_74 = arith.index_cast %add3A_72 : i32 to index
        %get3A_75 = tpu.vector_load %arg13[%get3A_73, %get3A_74] {strides = array<i32>} : memref<256x128xf32, #tpu.memory_space<vmem>>, vector<1x16xf32>,
        %get3A_76 = vector.shape_cast %get3A_75 : vector<1x16xf32> to vector<16xf32>
        %add3A_77 = arith.constant 16 : i32
        %add3A_78 = arith.addi %squeeze3A_56, %add3A_77 : i32
        %get3A_79 = arith.index_cast %add3A_54 : i32 to index
        %get3A_80 = arith.index_cast %add3A_78 : i32 to index
        %get3A_81 = tpu.vector_load %arg14[%get3A_79, %get3A_80] {strides = array<i32>} : memref<256x128xf32, #tpu.memory_space<vmem>>, vector<1x16xf32>,
        %get3A_82 = vector.shape_cast %get3A_81 : vector<1x16xf32> to vector<16xf32>
        %mul3A_83 = arith.mulf %get3A_76, %get3A_82 : vector<16xf32>
        %add3A_84 = arith.addf %add3A_70, %mul3A_83 : vector<16xf32>
        %add3A_85 = arith.constant 32 : i32
        %add3A_86 = arith.addi %squeeze3A, %add3A_85 : i32
        %get3A_87 = arith.index_cast %add3A_54 : i32 to index
        %get3A_88 = arith.index_cast %add3A_86 : i32 to index
        %get3A_89 = tpu.vector_load %arg13[%get3A_87, %get3A_88] {strides = array<i32>} : memref<256x128xf32, #tpu.memory_space<vmem>>, vector<1x16xf32>,
        %get3A_90 = vector.shape_cast %get3A_89 : vector<1x16xf32> to vector<16xf32>
        %add3A_91 = arith.constant 32 : i32
        %add3A_92 = arith.addi %squeeze3A_56, %add3A_91 : i32
        %get3A_93 = arith.index_cast %add3A_54 : i32 to index
        %get3A_94 = arith.index_cast %add3A_92 : i32 to index
        %get3A_95 = tpu.vector_load %arg14[%get3A_93, %get3A_94] {strides = array<i32>} : memref<256x128xf32, #tpu.memory_space<vmem>>, vector<1x16xf32>,
        %get3A_96 = vector.shape_cast %get3A_95 : vector<1x16xf32> to vector<16xf32>
        %mul3A_97 = arith.mulf %get3A_90, %get3A_96 : vector<16xf32>
        %add3A_98 = arith.addf %add3A_84, %mul3A_97 : vector<16xf32>
        %add3A_99 = arith.constant 48 : i32
        %add3A_100 = arith.addi %squeeze3A, %add3A_99 : i32
        %get3A_101 = arith.index_cast %add3A_54 : i32 to index
        %get3A_102 = arith.index_cast %add3A_100 : i32 to index
        %get3A_103 = tpu.vector_load %arg13[%get3A_101, %get3A_102] {strides = array<i32>} : memref<256x128xf32, #tpu.memory_space<vmem>>, vector<1x16xf32>,
        %get3A_104 = vector.shape_cast %get3A_103 : vector<1x16xf32> to vector<16xf32>
        %add3A_105 = arith.constant 48 : i32
        %add3A_106 = arith.addi %squeeze3A_56, %add3A_105 : i32
        %get3A_107 = arith.index_cast %add3A_54 : i32 to index
        %get3A_108 = arith.index_cast %add3A_106 : i32 to index
        %get3A_109 = tpu.vector_load %arg14[%get3A_107, %get3A_108] {strides = array<i32>} : memref<256x128xf32, #tpu.memory_space<vmem>>, vector<1x16xf32>,
        %get3A_110 = vector.shape_cast %get3A_109 : vector<1x16xf32> to vector<16xf32>
        %mul3A_111 = arith.mulf %get3A_104, %get3A_110 : vector<16xf32>
        %add3A_112 = arith.addf %add3A_98, %mul3A_111 : vector<16xf32>
        %mul3A_113 = arith.constant 16 : i32
        %mul3A_114 = arith.muli %scan3A_38, %mul3A_113 : i32
        %add3A_115 = arith.constant 1 : i32
        %add3A_116 = arith.addi %mul3A_114, %add3A_115 : i32
        %slice3A_117 = vector.extract_strided_slice %get3A_44 {offsets = [1], sizes = [1], strides = [1]} : vector<16xi32> to vector<1xi32>
        %squeeze3A_118 = vector.extract %slice3A_117[0] : i32 from vector<1xi32>
        %slice3A_119 = vector.extract_strided_slice %get3A_50 {offsets = [1], sizes = [1], strides = [1]} : vector<16xi32> to vector<1xi32>
        %squeeze3A_120 = vector.extract %slice3A_119[0] : i32 from vector<1xi32>
        %add3A_121 = arith.constant 0 : i32
        %add3A_122 = arith.addi %squeeze3A_118, %add3A_121 : i32
        %get3A_123 = arith.index_cast %add3A_116 : i32 to index
        %get3A_124 = arith.index_cast %add3A_122 : i32 to index
        %get3A_125 = tpu.vector_load %arg13[%get3A_123, %get3A_124] {strides = array<i32>} : memref<256x128xf32, #tpu.memory_space<vmem>>, vector<1x16xf32>,
        %get3A_126 = vector.shape_cast %get3A_125 : vector<1x16xf32> to vector<16xf32>
        %add3A_127 = arith.constant 0 : i32
        %add3A_128 = arith.addi %squeeze3A_120, %add3A_127 : i32
        %get3A_129 = arith.index_cast %add3A_116 : i32 to index
        %get3A_130 = arith.index_cast %add3A_128 : i32 to index
        %get3A_131 = tpu.vector_load %arg14[%get3A_129, %get3A_130] {strides = array<i32>} : memref<256x128xf32, #tpu.memory_space<vmem>>, vector<1x16xf32>,
        %get3A_132 = vector.shape_cast %get3A_131 : vector<1x16xf32> to vector<16xf32>
        %mul3A_133 = arith.mulf %get3A_126, %get3A_132 : vector<16xf32>
        %add3A_134 = arith.addf %add3A_112, %mul3A_133 : vector<16xf32>
        %add3A_135 = arith.constant 16 : i32
        %add3A_136 = arith.addi %squeeze3A_118, %add3A_135 : i32
        %get3A_137 = arith.index_cast %add3A_116 : i32 to index
        %get3A_138 = arith.index_cast %add3A_136 : i32 to index
        %get3A_139 = tpu.vector_load %arg13[%get3A_137, %get3A_138] {strides = array<i32>} : memref<256x128xf32, #tpu.memory_space<vmem>>, vector<1x16xf32>,
        %get3A_140 = vector.shape_cast %get3A_139 : vector<1x16xf32> to vector<16xf32>
        %add3A_141 = arith.constant 16 : i32
        %add3A_142 = arith.addi %squeeze3A_120, %add3A_141 : i32
        %get3A_143 = arith.index_cast %add3A_116 : i32 to index
        %get3A_144 = arith.index_cast %add3A_142 : i32 to index
        %get3A_145 = tpu.vector_load %arg14[%get3A_143, %get3A_144] {strides = array<i32>} : memref<256x128xf32, #tpu.memory_space<vmem>>, vector<1x16xf32>,
        %get3A_146 = vector.shape_cast %get3A_145 : vector<1x16xf32> to vector<16xf32>
        %mul3A_147 = arith.mulf %get3A_140, %get3A_146 : vector<16xf32>
        %add3A_148 = arith.addf %add3A_134, %mul3A_147 : vector<16xf32>
        %add3A_149 = arith.constant 32 : i32
        %add3A_150 = arith.addi %squeeze3A_118, %add3A_149 : i32
        %get3A_151 = arith.index_cast %add3A_116 : i32 to index
        %get3A_152 = arith.index_cast %add3A_150 : i32 to index
        %get3A_153 = tpu.vector_load %arg13[%get3A_151, %get3A_152] {strides = array<i32>} : memref<256x128xf32, #tpu.memory_space<vmem>>, vector<1x16xf32>,
        %get3A_154 = vector.shape_cast %get3A_153 : vector<1x16xf32> to vector<16xf32>
        %add3A_155 = arith.constant 32 : i32
        %add3A_156 = arith.addi %squeeze3A_120, %add3A_155 : i32
        %get3A_157 = arith.index_cast %add3A_116 : i32 to index
        %get3A_158 = arith.index_cast %add3A_156 : i32 to index
        %get3A_159 = tpu.vector_load %arg14[%get3A_157, %get3A_158] {strides = array<i32>} : memref<256x128xf32, #tpu.memory_space<vmem>>, vector<1x16xf32>,
        %get3A_160 = vector.shape_cast %get3A_159 : vector<1x16xf32> to vector<16xf32>
        %mul3A_161 = arith.mulf %get3A_154, %get3A_160 : vector<16xf32>
        %add3A_162 = arith.addf %add3A_148, %mul3A_161 : vector<16xf32>
        %add3A_163 = arith.constant 48 : i32
        %add3A_164 = arith.addi %squeeze3A_118, %add3A_163 : i32
        %get3A_165 = arith.index_cast %add3A_116 : i32 to index
        %get3A_166 = arith.index_cast %add3A_164 : i32 to index
        %get3A_167 = tpu.vector_load %arg13[%get3A_165, %get3A_166] {strides = array<i32>} : memref<256x128xf32, #tpu.memory_space<vmem>>, vector<1x16xf32>,
        %get3A_168 = vector.shape_cast %get3A_167 : vector<1x16xf32> to vector<16xf32>
        %add3A_169 = arith.constant 48 : i32
        %add3A_170 = arith.addi %squeeze3A_120, %add3A_169 : i32
        %get3A_171 = arith.index_cast %add3A_116 : i32 to index
        %get3A_172 = arith.index_cast %add3A_170 : i32 to index
        %get3A_173 = tpu.vector_load %arg14[%get3A_171, %get3A_172] {strides = array<i32>} : memref<256x128xf32, #tpu.memory_space<vmem>>, vector<1x16xf32>,
        %get3A_174 = vector.shape_cast %get3A_173 : vector<1x16xf32> to vector<16xf32>
        %mul3A_175 = arith.mulf %get3A_168, %get3A_174 : vector<16xf32>
        %add3A_176 = arith.addf %add3A_162, %mul3A_175 : vector<16xf32>
        %mul3A_177 = arith.constant 16 : i32
        %mul3A_178 = arith.muli %scan3A_38, %mul3A_177 : i32
        %add3A_179 = arith.constant 2 : i32
        %add3A_180 = arith.addi %mul3A_178, %add3A_179 : i32
        %slice3A_181 = vector.extract_strided_slice %get3A_44 {offsets = [2], sizes = [1], strides = [1]} : vector<16xi32> to vector<1xi32>
        %squeeze3A_182 = vector.extract %slice3A_181[0] : i32 from vector<1xi32>
        %slice3A_183 = vector.extract_strided_slice %get3A_50 {offsets = [2], sizes = [1], strides = [1]} : vector<16xi32> to vector<1xi32>
        %squeeze3A_184 = vector.extract %slice3A_183[0] : i32 from vector<1xi32>
        %add3A_185 = arith.constant 0 : i32
        %add3A_186 = arith.addi %squeeze3A_182, %add3A_185 : i32
        %get3A_187 = arith.index_cast %add3A_180 : i32 to index
        %get3A_188 = arith.index_cast %add3A_186 : i32 to index
        %get3A_189 = tpu.vector_load %arg13[%get3A_187, %get3A_188] {strides = array<i32>} : memref<256x128xf32, #tpu.memory_space<vmem>>, vector<1x16xf32>,
        %get3A_190 = vector.shape_cast %get3A_189 : vector<1x16xf32> to vector<16xf32>
        %add3A_191 = arith.constant 0 : i32
        %add3A_192 = arith.addi %squeeze3A_184, %add3A_191 : i32
        %get3A_193 = arith.index_cast %add3A_180 : i32 to index
        %get3A_194 = arith.index_cast %add3A_192 : i32 to index
        %get3A_195 = tpu.vector_load %arg14[%get3A_193, %get3A_194] {strides = array<i32>} : memref<256x128xf32, #tpu.memory_space<vmem>>, vector<1x16xf32>,
        %get3A_196 = vector.shape_cast %get3A_195 : vector<1x16xf32> to vector<16xf32>
        %mul3A_197 = arith.mulf %get3A_190, %get3A_196 : vector<16xf32>
        %add3A_198 = arith.addf %add3A_176, %mul3A_197 : vector<16xf32>
        %add3A_199 = arith.constant 16 : i32
        %add3A_200 = arith.addi %squeeze3A_182, %add3A_199 : i32
        %get3A_201 = arith.index_cast %add3A_180 : i32 to index
        %get3A_202 = arith.index_cast %add3A_200 : i32 to index
        %get3A_203 = tpu.vector_load %arg13[%get3A_201, %get3A_202] {strides = array<i32>} : memref<256x128xf32, #tpu.memory_space<vmem>>, vector<1x16xf32>,
        %get3A_204 = vector.shape_cast %get3A_203 : vector<1x16xf32> to vector<16xf32>
        %add3A_205 = arith.constant 16 : i32
        %add3A_206 = arith.addi %squeeze3A_184, %add3A_205 : i32
        %get3A_207 = arith.index_cast %add3A_180 : i32 to index
        %get3A_208 = arith.index_cast %add3A_206 : i32 to index
        %get3A_209 = tpu.vector_load %arg14[%get3A_207, %get3A_208] {strides = array<i32>} : memref<256x128xf32, #tpu.memory_space<vmem>>, vector<1x16xf32>,
        %get3A_210 = vector.shape_cast %get3A_209 : vector<1x16xf32> to vector<16xf32>
        %mul3A_211 = arith.mulf %get3A_204, %get3A_210 : vector<16xf32>
        %add3A_212 = arith.addf %add3A_198, %mul3A_211 : vector<16xf32>
        %add3A_213 = arith.constant 32 : i32
        %add3A_214 = arith.addi %squeeze3A_182, %add3A_213 : i32
        %get3A_215 = arith.index_cast %add3A_180 : i32 to index
        %get3A_216 = arith.index_cast %add3A_214 : i32 to index
        %get3A_217 = tpu.vector_load %arg13[%get3A_215, %get3A_216] {strides = array<i32>} : memref<256x128xf32, #tpu.memory_space<vmem>>, vector<1x16xf32>,
        %get3A_218 = vector.shape_cast %get3A_217 : vector<1x16xf32> to vector<16xf32>
        %add3A_219 = arith.constant 32 : i32
        %add3A_220 = arith.addi %squeeze3A_184, %add3A_219 : i32
        %get3A_221 = arith.index_cast %add3A_180 : i32 to index
        %get3A_222 = arith.index_cast %add3A_220 : i32 to index
        %get3A_223 = tpu.vector_load %arg14[%get3A_221, %get3A_222] {strides = array<i32>} : memref<256x128xf32, #tpu.memory_space<vmem>>, vector<1x16xf32>,
        %get3A_224 = vector.shape_cast %get3A_223 : vector<1x16xf32> to vector<16xf32>
        %mul3A_225 = arith.mulf %get3A_218, %get3A_224 : vector<16xf32>
        %add3A_226 = arith.addf %add3A_212, %mul3A_225 : vector<16xf32>
        %add3A_227 = arith.constant 48 : i32
        %add3A_228 = arith.addi %squeeze3A_182, %add3A_227 : i32
        %get3A_229 = arith.index_cast %add3A_180 : i32 to index
        %get3A_230 = arith.index_cast %add3A_228 : i32 to index
        %get3A_231 = tpu.vector_load %arg13[%get3A_229, %get3A_230] {strides = array<i32>} : memref<256x128xf32, #tpu.memory_space<vmem>>, vector<1x16xf32>,
        %get3A_232 = vector.shape_cast %get3A_231 : vector<1x16xf32> to vector<16xf32>
        %add3A_233 = arith.constant 48 : i32
        %add3A_234 = arith.addi %squeeze3A_184, %add3A_233 : i32
        %get3A_235 = arith.index_cast %add3A_180 : i32 to index
        %get3A_236 = arith.index_cast %add3A_234 : i32 to index
        %get3A_237 = tpu.vector_load %arg14[%get3A_235, %get3A_236] {strides = array<i32>} : memref<256x128xf32, #tpu.memory_space<vmem>>, vector<1x16xf32>,
        %get3A_238 = vector.shape_cast %get3A_237 : vector<1x16xf32> to vector<16xf32>
        %mul3A_239 = arith.mulf %get3A_232, %get3A_238 : vector<16xf32>
        %add3A_240 = arith.addf %add3A_226, %mul3A_239 : vector<16xf32>
        %mul3A_241 = arith.constant 16 : i32
        %mul3A_242 = arith.muli %scan3A_38, %mul3A_241 : i32
        %add3A_243 = arith.constant 3 : i32
        %add3A_244 = arith.addi %mul3A_242, %add3A_243 : i32
        %slice3A_245 = vector.extract_strided_slice %get3A_44 {offsets = [3], sizes = [1], strides = [1]} : vector<16xi32> to vector<1xi32>
        %squeeze3A_246 = vector.extract %slice3A_245[0] : i32 from vector<1xi32>
        %slice3A_247 = vector.extract_strided_slice %get3A_50 {offsets = [3], sizes = [1], strides = [1]} : vector<16xi32> to vector<1xi32>
        %squeeze3A_248 = vector.extract %slice3A_247[0] : i32 from vector<1xi32>
        %add3A_249 = arith.constant 0 : i32
        %add3A_250 = arith.addi %squeeze3A_246, %add3A_249 : i32
        %get3A_251 = arith.index_cast %add3A_244 : i32 to index
        %get3A_252 = arith.index_cast %add3A_250 : i32 to index
        %get3A_253 = tpu.vector_load %arg13[%get3A_251, %get3A_252] {strides = array<i32>} : memref<256x128xf32, #tpu.memory_space<vmem>>, vector<1x16xf32>,
        %get3A_254 = vector.shape_cast %get3A_253 : vector<1x16xf32> to vector<16xf32>
        %add3A_255 = arith.constant 0 : i32
        %add3A_256 = arith.addi %squeeze3A_248, %add3A_255 : i32
        %get3A_257 = arith.index_cast %add3A_244 : i32 to index
        %get3A_258 = arith.index_cast %add3A_256 : i32 to index
        %get3A_259 = tpu.vector_load %arg14[%get3A_257, %get3A_258] {strides = array<i32>} : memref<256x128xf32, #tpu.memory_space<vmem>>, vector<1x16xf32>,
        %get3A_260 = vector.shape_cast %get3A_259 : vector<1x16xf32> to vector<16xf32>
        %mul3A_261 = arith.mulf %get3A_254, %get3A_260 : vector<16xf32>
        %add3A_262 = arith.addf %add3A_240, %mul3A_261 : vector<16xf32>
        %add3A_263 = arith.constant 16 : i32
        %add3A_264 = arith.addi %squeeze3A_246, %add3A_263 : i32
        %get3A_265 = arith.index_cast %add3A_244 : i32 to index
        %get3A_266 = arith.index_cast %add3A_264 : i32 to index
        %get3A_267 = tpu.vector_load %arg13[%get3A_265, %get3A_266] {strides = array<i32>} : memref<256x128xf32, #tpu.memory_space<vmem>>, vector<1x16xf32>,
        %get3A_268 = vector.shape_cast %get3A_267 : vector<1x16xf32> to vector<16xf32>
        %add3A_269 = arith.constant 16 : i32
        %add3A_270 = arith.addi %squeeze3A_248, %add3A_269 : i32
        %get3A_271 = arith.index_cast %add3A_244 : i32 to index
        %get3A_272 = arith.index_cast %add3A_270 : i32 to index
        %get3A_273 = tpu.vector_load %arg14[%get3A_271, %get3A_272] {strides = array<i32>} : memref<256x128xf32, #tpu.memory_space<vmem>>, vector<1x16xf32>,
        %get3A_274 = vector.shape_cast %get3A_273 : vector<1x16xf32> to vector<16xf32>
        %mul3A_275 = arith.mulf %get3A_268, %get3A_274 : vector<16xf32>
        %add3A_276 = arith.addf %add3A_262, %mul3A_275 : vector<16xf32>
        %add3A_277 = arith.constant 32 : i32
        %add3A_278 = arith.addi %squeeze3A_246, %add3A_277 : i32
        %get3A_279 = arith.index_cast %add3A_244 : i32 to index
        %get3A_280 = arith.index_cast %add3A_278 : i32 to index
        %get3A_281 = tpu.vector_load %arg13[%get3A_279, %get3A_280] {strides = array<i32>} : memref<256x128xf32, #tpu.memory_space<vmem>>, vector<1x16xf32>,
        %get3A_282 = vector.shape_cast %get3A_281 : vector<1x16xf32> to vector<16xf32>
        %add3A_283 = arith.constant 32 : i32
        %add3A_284 = arith.addi %squeeze3A_248, %add3A_283 : i32
        %get3A_285 = arith.index_cast %add3A_244 : i32 to index
        %get3A_286 = arith.index_cast %add3A_284 : i32 to index
        %get3A_287 = tpu.vector_load %arg14[%get3A_285, %get3A_286] {strides = array<i32>} : memref<256x128xf32, #tpu.memory_space<vmem>>, vector<1x16xf32>,
        %get3A_288 = vector.shape_cast %get3A_287 : vector<1x16xf32> to vector<16xf32>
        %mul3A_289 = arith.mulf %get3A_282, %get3A_288 : vector<16xf32>
        %add3A_290 = arith.addf %add3A_276, %mul3A_289 : vector<16xf32>
        %add3A_291 = arith.constant 48 : i32
        %add3A_292 = arith.addi %squeeze3A_246, %add3A_291 : i32
        %get3A_293 = arith.index_cast %add3A_244 : i32 to index
        %get3A_294 = arith.index_cast %add3A_292 : i32 to index
        %get3A_295 = tpu.vector_load %arg13[%get3A_293, %get3A_294] {strides = array<i32>} : memref<256x128xf32, #tpu.memory_space<vmem>>, vector<1x16xf32>,
        %get3A_296 = vector.shape_cast %get3A_295 : vector<1x16xf32> to vector<16xf32>
        %add3A_297 = arith.constant 48 : i32
        %add3A_298 = arith.addi %squeeze3A_248, %add3A_297 : i32
        %get3A_299 = arith.index_cast %add3A_244 : i32 to index
        %get3A_300 = arith.index_cast %add3A_298 : i32 to index
        %get3A_301 = tpu.vector_load %arg14[%get3A_299, %get3A_300] {strides = array<i32>} : memref<256x128xf32, #tpu.memory_space<vmem>>, vector<1x16xf32>,
        %get3A_302 = vector.shape_cast %get3A_301 : vector<1x16xf32> to vector<16xf32>
        %mul3A_303 = arith.mulf %get3A_296, %get3A_302 : vector<16xf32>
        %add3A_304 = arith.addf %add3A_290, %mul3A_303 : vector<16xf32>
        %mul3A_305 = arith.constant 16 : i32
        %mul3A_306 = arith.muli %scan3A_38, %mul3A_305 : i32
        %add3A_307 = arith.constant 4 : i32
        %add3A_308 = arith.addi %mul3A_306, %add3A_307 : i32
        %slice3A_309 = vector.extract_strided_slice %get3A_44 {offsets = [4], sizes = [1], strides = [1]} : vector<16xi32> to vector<1xi32>
        %squeeze3A_310 = vector.extract %slice3A_309[0] : i32 from vector<1xi32>
        %slice3A_311 = vector.extract_strided_slice %get3A_50 {offsets = [4], sizes = [1], strides = [1]} : vector<16xi32> to vector<1xi32>
        %squeeze3A_312 = vector.extract %slice3A_311[0] : i32 from vector<1xi32>
        %add3A_313 = arith.constant 0 : i32
        %add3A_314 = arith.addi %squeeze3A_310, %add3A_313 : i32
        %get3A_315 = arith.index_cast %add3A_308 : i32 to index
        %get3A_316 = arith.index_cast %add3A_314 : i32 to index
        %get3A_317 = tpu.vector_load %arg13[%get3A_315, %get3A_316] {strides = array<i32>} : memref<256x128xf32, #tpu.memory_space<vmem>>, vector<1x16xf32>,
        %get3A_318 = vector.shape_cast %get3A_317 : vector<1x16xf32> to vector<16xf32>
        %add3A_319 = arith.constant 0 : i32
        %add3A_320 = arith.addi %squeeze3A_312, %add3A_319 : i32
        %get3A_321 = arith.index_cast %add3A_308 : i32 to index
        %get3A_322 = arith.index_cast %add3A_320 : i32 to index
        %get3A_323 = tpu.vector_load %arg14[%get3A_321, %get3A_322] {strides = array<i32>} : memref<256x128xf32, #tpu.memory_space<vmem>>, vector<1x16xf32>,
        %get3A_324 = vector.shape_cast %get3A_323 : vector<1x16xf32> to vector<16xf32>
        %mul3A_325 = arith.mulf %get3A_318, %get3A_324 : vector<16xf32>
        %add3A_326 = arith.addf %add3A_304, %mul3A_325 : vector<16xf32>
        %add3A_327 = arith.constant 16 : i32
        %add3A_328 = arith.addi %squeeze3A_310, %add3A_327 : i32
        %get3A_329 = arith.index_cast %add3A_308 : i32 to index
        %get3A_330 = arith.index_cast %add3A_328 : i32 to index
        %get3A_331 = tpu.vector_load %arg13[%get3A_329, %get3A_330] {strides = array<i32>} : memref<256x128xf32, #tpu.memory_space<vmem>>, vector<1x16xf32>,
        %get3A_332 = vector.shape_cast %get3A_331 : vector<1x16xf32> to vector<16xf32>
        %add3A_333 = arith.constant 16 : i32
        %add3A_334 = arith.addi %squeeze3A_312, %add3A_333 : i32
        %get3A_335 = arith.index_cast %add3A_308 : i32 to index
        %get3A_336 = arith.index_cast %add3A_334 : i32 to index
        %get3A_337 = tpu.vector_load %arg14[%get3A_335, %get3A_336] {strides = array<i32>} : memref<256x128xf32, #tpu.memory_space<vmem>>, vector<1x16xf32>,
        %get3A_338 = vector.shape_cast %get3A_337 : vector<1x16xf32> to vector<16xf32>
        %mul3A_339 = arith.mulf %get3A_332, %get3A_338 : vector<16xf32>
        %add3A_340 = arith.addf %add3A_326, %mul3A_339 : vector<16xf32>
        %add3A_341 = arith.constant 32 : i32
        %add3A_342 = arith.addi %squeeze3A_310, %add3A_341 : i32
        %get3A_343 = arith.index_cast %add3A_308 : i32 to index
        %get3A_344 = arith.index_cast %add3A_342 : i32 to index
        %get3A_345 = tpu.vector_load %arg13[%get3A_343, %get3A_344] {strides = array<i32>} : memref<256x128xf32, #tpu.memory_space<vmem>>, vector<1x16xf32>,
        %get3A_346 = vector.shape_cast %get3A_345 : vector<1x16xf32> to vector<16xf32>
        %add3A_347 = arith.constant 32 : i32
        %add3A_348 = arith.addi %squeeze3A_312, %add3A_347 : i32
        %get3A_349 = arith.index_cast %add3A_308 : i32 to index
        %get3A_350 = arith.index_cast %add3A_348 : i32 to index
        %get3A_351 = tpu.vector_load %arg14[%get3A_349, %get3A_350] {strides = array<i32>} : memref<256x128xf32, #tpu.memory_space<vmem>>, vector<1x16xf32>,
        %get3A_352 = vector.shape_cast %get3A_351 : vector<1x16xf32> to vector<16xf32>
        %mul3A_353 = arith.mulf %get3A_346, %get3A_352 : vector<16xf32>
        %add3A_354 = arith.addf %add3A_340, %mul3A_353 : vector<16xf32>
        %add3A_355 = arith.constant 48 : i32
        %add3A_356 = arith.addi %squeeze3A_310, %add3A_355 : i32
        %get3A_357 = arith.index_cast %add3A_308 : i32 to index
        %get3A_358 = arith.index_cast %add3A_356 : i32 to index
        %get3A_359 = tpu.vector_load %arg13[%get3A_357, %get3A_358] {strides = array<i32>} : memref<256x128xf32, #tpu.memory_space<vmem>>, vector<1x16xf32>,
        %get3A_360 = vector.shape_cast %get3A_359 : vector<1x16xf32> to vector<16xf32>
        %add3A_361 = arith.constant 48 : i32
        %add3A_362 = arith.addi %squeeze3A_312, %add3A_361 : i32
        %get3A_363 = arith.index_cast %add3A_308 : i32 to index
        %get3A_364 = arith.index_cast %add3A_362 : i32 to index
        %get3A_365 = tpu.vector_load %arg14[%get3A_363, %get3A_364] {strides = array<i32>} : memref<256x128xf32, #tpu.memory_space<vmem>>, vector<1x16xf32>,
        %get3A_366 = vector.shape_cast %get3A_365 : vector<1x16xf32> to vector<16xf32>
        %mul3A_367 = arith.mulf %get3A_360, %get3A_366 : vector<16xf32>
        %add3A_368 = arith.addf %add3A_354, %mul3A_367 : vector<16xf32>
        %mul3A_369 = arith.constant 16 : i32
        %mul3A_370 = arith.muli %scan3A_38, %mul3A_369 : i32
        %add3A_371 = arith.constant 5 : i32
        %add3A_372 = arith.addi %mul3A_370, %add3A_371 : i32
        %slice3A_373 = vector.extract_strided_slice %get3A_44 {offsets = [5], sizes = [1], strides = [1]} : vector<16xi32> to vector<1xi32>
        %squeeze3A_374 = vector.extract %slice3A_373[0] : i32 from vector<1xi32>
        %slice3A_375 = vector.extract_strided_slice %get3A_50 {offsets = [5], sizes = [1], strides = [1]} : vector<16xi32> to vector<1xi32>
        %squeeze3A_376 = vector.extract %slice3A_375[0] : i32 from vector<1xi32>
        %add3A_377 = arith.constant 0 : i32
        %add3A_378 = arith.addi %squeeze3A_374, %add3A_377 : i32
        %get3A_379 = arith.index_cast %add3A_372 : i32 to index
        %get3A_380 = arith.index_cast %add3A_378 : i32 to index
        %get3A_381 = tpu.vector_load %arg13[%get3A_379, %get3A_380] {strides = array<i32>} : memref<256x128xf32, #tpu.memory_space<vmem>>, vector<1x16xf32>,
        %get3A_382 = vector.shape_cast %get3A_381 : vector<1x16xf32> to vector<16xf32>
        %add3A_383 = arith.constant 0 : i32
        %add3A_384 = arith.addi %squeeze3A_376, %add3A_383 : i32
        %get3A_385 = arith.index_cast %add3A_372 : i32 to index
        %get3A_386 = arith.index_cast %add3A_384 : i32 to index
        %get3A_387 = tpu.vector_load %arg14[%get3A_385, %get3A_386] {strides = array<i32>} : memref<256x128xf32, #tpu.memory_space<vmem>>, vector<1x16xf32>,
        %get3A_388 = vector.shape_cast %get3A_387 : vector<1x16xf32> to vector<16xf32>
        %mul3A_389 = arith.mulf %get3A_382, %get3A_388 : vector<16xf32>
        %add3A_390 = arith.addf %add3A_368, %mul3A_389 : vector<16xf32>
        %add3A_391 = arith.constant 16 : i32
        %add3A_392 = arith.addi %squeeze3A_374, %add3A_391 : i32
        %get3A_393 = arith.index_cast %add3A_372 : i32 to index
        %get3A_394 = arith.index_cast %add3A_392 : i32 to index
        %get3A_395 = tpu.vector_load %arg13[%get3A_393, %get3A_394] {strides = array<i32>} : memref<256x128xf32, #tpu.memory_space<vmem>>, vector<1x16xf32>,
        %get3A_396 = vector.shape_cast %get3A_395 : vector<1x16xf32> to vector<16xf32>
        %add3A_397 = arith.constant 16 : i32
        %add3A_398 = arith.addi %squeeze3A_376, %add3A_397 : i32
        %get3A_399 = arith.index_cast %add3A_372 : i32 to index
        %get3A_400 = arith.index_cast %add3A_398 : i32 to index
        %get3A_401 = tpu.vector_load %arg14[%get3A_399, %get3A_400] {strides = array<i32>} : memref<256x128xf32, #tpu.memory_space<vmem>>, vector<1x16xf32>,
        %get3A_402 = vector.shape_cast %get3A_401 : vector<1x16xf32> to vector<16xf32>
        %mul3A_403 = arith.mulf %get3A_396, %get3A_402 : vector<16xf32>
        %add3A_404 = arith.addf %add3A_390, %mul3A_403 : vector<16xf32>
        %add3A_405 = arith.constant 32 : i32
        %add3A_406 = arith.addi %squeeze3A_374, %add3A_405 : i32
        %get3A_407 = arith.index_cast %add3A_372 : i32 to index
        %get3A_408 = arith.index_cast %add3A_406 : i32 to index
        %get3A_409 = tpu.vector_load %arg13[%get3A_407, %get3A_408] {strides = array<i32>} : memref<256x128xf32, #tpu.memory_space<vmem>>, vector<1x16xf32>,
        %get3A_410 = vector.shape_cast %get3A_409 : vector<1x16xf32> to vector<16xf32>
        %add3A_411 = arith.constant 32 : i32
        %add3A_412 = arith.addi %squeeze3A_376, %add3A_411 : i32
        %get3A_413 = arith.index_cast %add3A_372 : i32 to index
        %get3A_414 = arith.index_cast %add3A_412 : i32 to index
        %get3A_415 = tpu.vector_load %arg14[%get3A_413, %get3A_414] {strides = array<i32>} : memref<256x128xf32, #tpu.memory_space<vmem>>, vector<1x16xf32>,
        %get3A_416 = vector.shape_cast %get3A_415 : vector<1x16xf32> to vector<16xf32>
        %mul3A_417 = arith.mulf %get3A_410, %get3A_416 : vector<16xf32>
        %add3A_418 = arith.addf %add3A_404, %mul3A_417 : vector<16xf32>
        %add3A_419 = arith.constant 48 : i32
        %add3A_420 = arith.addi %squeeze3A_374, %add3A_419 : i32
        %get3A_421 = arith.index_cast %add3A_372 : i32 to index
        %get3A_422 = arith.index_cast %add3A_420 : i32 to index
        %get3A_423 = tpu.vector_load %arg13[%get3A_421, %get3A_422] {strides = array<i32>} : memref<256x128xf32, #tpu.memory_space<vmem>>, vector<1x16xf32>,
        %get3A_424 = vector.shape_cast %get3A_423 : vector<1x16xf32> to vector<16xf32>
        %add3A_425 = arith.constant 48 : i32
        %add3A_426 = arith.addi %squeeze3A_376, %add3A_425 : i32
        %get3A_427 = arith.index_cast %add3A_372 : i32 to index
        %get3A_428 = arith.index_cast %add3A_426 : i32 to index
        %get3A_429 = tpu.vector_load %arg14[%get3A_427, %get3A_428] {strides = array<i32>} : memref<256x128xf32, #tpu.memory_space<vmem>>, vector<1x16xf32>,
        %get3A_430 = vector.shape_cast %get3A_429 : vector<1x16xf32> to vector<16xf32>
        %mul3A_431 = arith.mulf %get3A_424, %get3A_430 : vector<16xf32>
        %add3A_432 = arith.addf %add3A_418, %mul3A_431 : vector<16xf32>
        %mul3A_433 = arith.constant 16 : i32
        %mul3A_434 = arith.muli %scan3A_38, %mul3A_433 : i32
        %add3A_435 = arith.constant 6 : i32
        %add3A_436 = arith.addi %mul3A_434, %add3A_435 : i32
        %slice3A_437 = vector.extract_strided_slice %get3A_44 {offsets = [6], sizes = [1], strides = [1]} : vector<16xi32> to vector<1xi32>
        %squeeze3A_438 = vector.extract %slice3A_437[0] : i32 from vector<1xi32>
        %slice3A_439 = vector.extract_strided_slice %get3A_50 {offsets = [6], sizes = [1], strides = [1]} : vector<16xi32> to vector<1xi32>
        %squeeze3A_440 = vector.extract %slice3A_439[0] : i32 from vector<1xi32>
        %add3A_441 = arith.constant 0 : i32
        %add3A_442 = arith.addi %squeeze3A_438, %add3A_441 : i32
        %get3A_443 = arith.index_cast %add3A_436 : i32 to index
        %get3A_444 = arith.index_cast %add3A_442 : i32 to index
        %get3A_445 = tpu.vector_load %arg13[%get3A_443, %get3A_444] {strides = array<i32>} : memref<256x128xf32, #tpu.memory_space<vmem>>, vector<1x16xf32>,
        %get3A_446 = vector.shape_cast %get3A_445 : vector<1x16xf32> to vector<16xf32>
        %add3A_447 = arith.constant 0 : i32
        %add3A_448 = arith.addi %squeeze3A_440, %add3A_447 : i32
        %get3A_449 = arith.index_cast %add3A_436 : i32 to index
        %get3A_450 = arith.index_cast %add3A_448 : i32 to index
        %get3A_451 = tpu.vector_load %arg14[%get3A_449, %get3A_450] {strides = array<i32>} : memref<256x128xf32, #tpu.memory_space<vmem>>, vector<1x16xf32>,
        %get3A_452 = vector.shape_cast %get3A_451 : vector<1x16xf32> to vector<16xf32>
        %mul3A_453 = arith.mulf %get3A_446, %get3A_452 : vector<16xf32>
        %add3A_454 = arith.addf %add3A_432, %mul3A_453 : vector<16xf32>
        %add3A_455 = arith.constant 16 : i32
        %add3A_456 = arith.addi %squeeze3A_438, %add3A_455 : i32
        %get3A_457 = arith.index_cast %add3A_436 : i32 to index
        %get3A_458 = arith.index_cast %add3A_456 : i32 to index
        %get3A_459 = tpu.vector_load %arg13[%get3A_457, %get3A_458] {strides = array<i32>} : memref<256x128xf32, #tpu.memory_space<vmem>>, vector<1x16xf32>,
        %get3A_460 = vector.shape_cast %get3A_459 : vector<1x16xf32> to vector<16xf32>
        %add3A_461 = arith.constant 16 : i32
        %add3A_462 = arith.addi %squeeze3A_440, %add3A_461 : i32
        %get3A_463 = arith.index_cast %add3A_436 : i32 to index
        %get3A_464 = arith.index_cast %add3A_462 : i32 to index
        %get3A_465 = tpu.vector_load %arg14[%get3A_463, %get3A_464] {strides = array<i32>} : memref<256x128xf32, #tpu.memory_space<vmem>>, vector<1x16xf32>,
        %get3A_466 = vector.shape_cast %get3A_465 : vector<1x16xf32> to vector<16xf32>
        %mul3A_467 = arith.mulf %get3A_460, %get3A_466 : vector<16xf32>
        %add3A_468 = arith.addf %add3A_454, %mul3A_467 : vector<16xf32>
        %add3A_469 = arith.constant 32 : i32
        %add3A_470 = arith.addi %squeeze3A_438, %add3A_469 : i32
        %get3A_471 = arith.index_cast %add3A_436 : i32 to index
        %get3A_472 = arith.index_cast %add3A_470 : i32 to index
        %get3A_473 = tpu.vector_load %arg13[%get3A_471, %get3A_472] {strides = array<i32>} : memref<256x128xf32, #tpu.memory_space<vmem>>, vector<1x16xf32>,
        %get3A_474 = vector.shape_cast %get3A_473 : vector<1x16xf32> to vector<16xf32>
        %add3A_475 = arith.constant 32 : i32
        %add3A_476 = arith.addi %squeeze3A_440, %add3A_475 : i32
        %get3A_477 = arith.index_cast %add3A_436 : i32 to index
        %get3A_478 = arith.index_cast %add3A_476 : i32 to index
        %get3A_479 = tpu.vector_load %arg14[%get3A_477, %get3A_478] {strides = array<i32>} : memref<256x128xf32, #tpu.memory_space<vmem>>, vector<1x16xf32>,
        %get3A_480 = vector.shape_cast %get3A_479 : vector<1x16xf32> to vector<16xf32>
        %mul3A_481 = arith.mulf %get3A_474, %get3A_480 : vector<16xf32>
        %add3A_482 = arith.addf %add3A_468, %mul3A_481 : vector<16xf32>
        %add3A_483 = arith.constant 48 : i32
        %add3A_484 = arith.addi %squeeze3A_438, %add3A_483 : i32
        %get3A_485 = arith.index_cast %add3A_436 : i32 to index
        %get3A_486 = arith.index_cast %add3A_484 : i32 to index
        %get3A_487 = tpu.vector_load %arg13[%get3A_485, %get3A_486] {strides = array<i32>} : memref<256x128xf32, #tpu.memory_space<vmem>>, vector<1x16xf32>,
        %get3A_488 = vector.shape_cast %get3A_487 : vector<1x16xf32> to vector<16xf32>
        %add3A_489 = arith.constant 48 : i32
        %add3A_490 = arith.addi %squeeze3A_440, %add3A_489 : i32
        %get3A_491 = arith.index_cast %add3A_436 : i32 to index
        %get3A_492 = arith.index_cast %add3A_490 : i32 to index
        %get3A_493 = tpu.vector_load %arg14[%get3A_491, %get3A_492] {strides = array<i32>} : memref<256x128xf32, #tpu.memory_space<vmem>>, vector<1x16xf32>,
        %get3A_494 = vector.shape_cast %get3A_493 : vector<1x16xf32> to vector<16xf32>
        %mul3A_495 = arith.mulf %get3A_488, %get3A_494 : vector<16xf32>
        %add3A_496 = arith.addf %add3A_482, %mul3A_495 : vector<16xf32>
        %mul3A_497 = arith.constant 16 : i32
        %mul3A_498 = arith.muli %scan3A_38, %mul3A_497 : i32
        %add3A_499 = arith.constant 7 : i32
        %add3A_500 = arith.addi %mul3A_498, %add3A_499 : i32
        %slice3A_501 = vector.extract_strided_slice %get3A_44 {offsets = [7], sizes = [1], strides = [1]} : vector<16xi32> to vector<1xi32>
        %squeeze3A_502 = vector.extract %slice3A_501[0] : i32 from vector<1xi32>
        %slice3A_503 = vector.extract_strided_slice %get3A_50 {offsets = [7], sizes = [1], strides = [1]} : vector<16xi32> to vector<1xi32>
        %squeeze3A_504 = vector.extract %slice3A_503[0] : i32 from vector<1xi32>
        %add3A_505 = arith.constant 0 : i32
        %add3A_506 = arith.addi %squeeze3A_502, %add3A_505 : i32
        %get3A_507 = arith.index_cast %add3A_500 : i32 to index
        %get3A_508 = arith.index_cast %add3A_506 : i32 to index
        %get3A_509 = tpu.vector_load %arg13[%get3A_507, %get3A_508] {strides = array<i32>} : memref<256x128xf32, #tpu.memory_space<vmem>>, vector<1x16xf32>,
        %get3A_510 = vector.shape_cast %get3A_509 : vector<1x16xf32> to vector<16xf32>
        %add3A_511 = arith.constant 0 : i32
        %add3A_512 = arith.addi %squeeze3A_504, %add3A_511 : i32
        %get3A_513 = arith.index_cast %add3A_500 : i32 to index
        %get3A_514 = arith.index_cast %add3A_512 : i32 to index
        %get3A_515 = tpu.vector_load %arg14[%get3A_513, %get3A_514] {strides = array<i32>} : memref<256x128xf32, #tpu.memory_space<vmem>>, vector<1x16xf32>,
        %get3A_516 = vector.shape_cast %get3A_515 : vector<1x16xf32> to vector<16xf32>
        %mul3A_517 = arith.mulf %get3A_510, %get3A_516 : vector<16xf32>
        %add3A_518 = arith.addf %add3A_496, %mul3A_517 : vector<16xf32>
        %add3A_519 = arith.constant 16 : i32
        %add3A_520 = arith.addi %squeeze3A_502, %add3A_519 : i32
        %get3A_521 = arith.index_cast %add3A_500 : i32 to index
        %get3A_522 = arith.index_cast %add3A_520 : i32 to index
        %get3A_523 = tpu.vector_load %arg13[%get3A_521, %get3A_522] {strides = array<i32>} : memref<256x128xf32, #tpu.memory_space<vmem>>, vector<1x16xf32>,
        %get3A_524 = vector.shape_cast %get3A_523 : vector<1x16xf32> to vector<16xf32>
        %add3A_525 = arith.constant 16 : i32
        %add3A_526 = arith.addi %squeeze3A_504, %add3A_525 : i32
        %get3A_527 = arith.index_cast %add3A_500 : i32 to index
        %get3A_528 = arith.index_cast %add3A_526 : i32 to index
        %get3A_529 = tpu.vector_load %arg14[%get3A_527, %get3A_528] {strides = array<i32>} : memref<256x128xf32, #tpu.memory_space<vmem>>, vector<1x16xf32>,
        %get3A_530 = vector.shape_cast %get3A_529 : vector<1x16xf32> to vector<16xf32>
        %mul3A_531 = arith.mulf %get3A_524, %get3A_530 : vector<16xf32>
        %add3A_532 = arith.addf %add3A_518, %mul3A_531 : vector<16xf32>
        %add3A_533 = arith.constant 32 : i32
        %add3A_534 = arith.addi %squeeze3A_502, %add3A_533 : i32
        %get3A_535 = arith.index_cast %add3A_500 : i32 to index
        %get3A_536 = arith.index_cast %add3A_534 : i32 to index
        %get3A_537 = tpu.vector_load %arg13[%get3A_535, %get3A_536] {strides = array<i32>} : memref<256x128xf32, #tpu.memory_space<vmem>>, vector<1x16xf32>,
        %get3A_538 = vector.shape_cast %get3A_537 : vector<1x16xf32> to vector<16xf32>
        %add3A_539 = arith.constant 32 : i32
        %add3A_540 = arith.addi %squeeze3A_504, %add3A_539 : i32
        %get3A_541 = arith.index_cast %add3A_500 : i32 to index
        %get3A_542 = arith.index_cast %add3A_540 : i32 to index
        %get3A_543 = tpu.vector_load %arg14[%get3A_541, %get3A_542] {strides = array<i32>} : memref<256x128xf32, #tpu.memory_space<vmem>>, vector<1x16xf32>,
        %get3A_544 = vector.shape_cast %get3A_543 : vector<1x16xf32> to vector<16xf32>
        %mul3A_545 = arith.mulf %get3A_538, %get3A_544 : vector<16xf32>
        %add3A_546 = arith.addf %add3A_532, %mul3A_545 : vector<16xf32>
        %add3A_547 = arith.constant 48 : i32
        %add3A_548 = arith.addi %squeeze3A_502, %add3A_547 : i32
        %get3A_549 = arith.index_cast %add3A_500 : i32 to index
        %get3A_550 = arith.index_cast %add3A_548 : i32 to index
        %get3A_551 = tpu.vector_load %arg13[%get3A_549, %get3A_550] {strides = array<i32>} : memref<256x128xf32, #tpu.memory_space<vmem>>, vector<1x16xf32>,
        %get3A_552 = vector.shape_cast %get3A_551 : vector<1x16xf32> to vector<16xf32>
        %add3A_553 = arith.constant 48 : i32
        %add3A_554 = arith.addi %squeeze3A_504, %add3A_553 : i32
        %get3A_555 = arith.index_cast %add3A_500 : i32 to index
        %get3A_556 = arith.index_cast %add3A_554 : i32 to index
        %get3A_557 = tpu.vector_load %arg14[%get3A_555, %get3A_556] {strides = array<i32>} : memref<256x128xf32, #tpu.memory_space<vmem>>, vector<1x16xf32>,
        %get3A_558 = vector.shape_cast %get3A_557 : vector<1x16xf32> to vector<16xf32>
        %mul3A_559 = arith.mulf %get3A_552, %get3A_558 : vector<16xf32>
        %add3A_560 = arith.addf %add3A_546, %mul3A_559 : vector<16xf32>
        %mul3A_561 = arith.constant 16 : i32
        %mul3A_562 = arith.muli %scan3A_38, %mul3A_561 : i32
        %add3A_563 = arith.constant 8 : i32
        %add3A_564 = arith.addi %mul3A_562, %add3A_563 : i32
        %slice3A_565 = vector.extract_strided_slice %get3A_44 {offsets = [8], sizes = [1], strides = [1]} : vector<16xi32> to vector<1xi32>
        %squeeze3A_566 = vector.extract %slice3A_565[0] : i32 from vector<1xi32>
        %slice3A_567 = vector.extract_strided_slice %get3A_50 {offsets = [8], sizes = [1], strides = [1]} : vector<16xi32> to vector<1xi32>
        %squeeze3A_568 = vector.extract %slice3A_567[0] : i32 from vector<1xi32>
        %add3A_569 = arith.constant 0 : i32
        %add3A_570 = arith.addi %squeeze3A_566, %add3A_569 : i32
        %get3A_571 = arith.index_cast %add3A_564 : i32 to index
        %get3A_572 = arith.index_cast %add3A_570 : i32 to index
        %get3A_573 = tpu.vector_load %arg13[%get3A_571, %get3A_572] {strides = array<i32>} : memref<256x128xf32, #tpu.memory_space<vmem>>, vector<1x16xf32>,
        %get3A_574 = vector.shape_cast %get3A_573 : vector<1x16xf32> to vector<16xf32>
        %add3A_575 = arith.constant 0 : i32
        %add3A_576 = arith.addi %squeeze3A_568, %add3A_575 : i32
        %get3A_577 = arith.index_cast %add3A_564 : i32 to index
        %get3A_578 = arith.index_cast %add3A_576 : i32 to index
        %get3A_579 = tpu.vector_load %arg14[%get3A_577, %get3A_578] {strides = array<i32>} : memref<256x128xf32, #tpu.memory_space<vmem>>, vector<1x16xf32>,
        %get3A_580 = vector.shape_cast %get3A_579 : vector<1x16xf32> to vector<16xf32>
        %mul3A_581 = arith.mulf %get3A_574, %get3A_580 : vector<16xf32>
        %add3A_582 = arith.addf %add3A_560, %mul3A_581 : vector<16xf32>
        %add3A_583 = arith.constant 16 : i32
        %add3A_584 = arith.addi %squeeze3A_566, %add3A_583 : i32
        %get3A_585 = arith.index_cast %add3A_564 : i32 to index
        %get3A_586 = arith.index_cast %add3A_584 : i32 to index
        %get3A_587 = tpu.vector_load %arg13[%get3A_585, %get3A_586] {strides = array<i32>} : memref<256x128xf32, #tpu.memory_space<vmem>>, vector<1x16xf32>,
        %get3A_588 = vector.shape_cast %get3A_587 : vector<1x16xf32> to vector<16xf32>
        %add3A_589 = arith.constant 16 : i32
        %add3A_590 = arith.addi %squeeze3A_568, %add3A_589 : i32
        %get3A_591 = arith.index_cast %add3A_564 : i32 to index
        %get3A_592 = arith.index_cast %add3A_590 : i32 to index
        %get3A_593 = tpu.vector_load %arg14[%get3A_591, %get3A_592] {strides = array<i32>} : memref<256x128xf32, #tpu.memory_space<vmem>>, vector<1x16xf32>,
        %get3A_594 = vector.shape_cast %get3A_593 : vector<1x16xf32> to vector<16xf32>
        %mul3A_595 = arith.mulf %get3A_588, %get3A_594 : vector<16xf32>
        %add3A_596 = arith.addf %add3A_582, %mul3A_595 : vector<16xf32>
        %add3A_597 = arith.constant 32 : i32
        %add3A_598 = arith.addi %squeeze3A_566, %add3A_597 : i32
        %get3A_599 = arith.index_cast %add3A_564 : i32 to index
        %get3A_600 = arith.index_cast %add3A_598 : i32 to index
        %get3A_601 = tpu.vector_load %arg13[%get3A_599, %get3A_600] {strides = array<i32>} : memref<256x128xf32, #tpu.memory_space<vmem>>, vector<1x16xf32>,
        %get3A_602 = vector.shape_cast %get3A_601 : vector<1x16xf32> to vector<16xf32>
        %add3A_603 = arith.constant 32 : i32
        %add3A_604 = arith.addi %squeeze3A_568, %add3A_603 : i32
        %get3A_605 = arith.index_cast %add3A_564 : i32 to index
        %get3A_606 = arith.index_cast %add3A_604 : i32 to index
        %get3A_607 = tpu.vector_load %arg14[%get3A_605, %get3A_606] {strides = array<i32>} : memref<256x128xf32, #tpu.memory_space<vmem>>, vector<1x16xf32>,
        %get3A_608 = vector.shape_cast %get3A_607 : vector<1x16xf32> to vector<16xf32>
        %mul3A_609 = arith.mulf %get3A_602, %get3A_608 : vector<16xf32>
        %add3A_610 = arith.addf %add3A_596, %mul3A_609 : vector<16xf32>
        %add3A_611 = arith.constant 48 : i32
        %add3A_612 = arith.addi %squeeze3A_566, %add3A_611 : i32
        %get3A_613 = arith.index_cast %add3A_564 : i32 to index
        %get3A_614 = arith.index_cast %add3A_612 : i32 to index
        %get3A_615 = tpu.vector_load %arg13[%get3A_613, %get3A_614] {strides = array<i32>} : memref<256x128xf32, #tpu.memory_space<vmem>>, vector<1x16xf32>,
        %get3A_616 = vector.shape_cast %get3A_615 : vector<1x16xf32> to vector<16xf32>
        %add3A_617 = arith.constant 48 : i32
        %add3A_618 = arith.addi %squeeze3A_568, %add3A_617 : i32
        %get3A_619 = arith.index_cast %add3A_564 : i32 to index
        %get3A_620 = arith.index_cast %add3A_618 : i32 to index
        %get3A_621 = tpu.vector_load %arg14[%get3A_619, %get3A_620] {strides = array<i32>} : memref<256x128xf32, #tpu.memory_space<vmem>>, vector<1x16xf32>,
        %get3A_622 = vector.shape_cast %get3A_621 : vector<1x16xf32> to vector<16xf32>
        %mul3A_623 = arith.mulf %get3A_616, %get3A_622 : vector<16xf32>
        %add3A_624 = arith.addf %add3A_610, %mul3A_623 : vector<16xf32>
        %mul3A_625 = arith.constant 16 : i32
        %mul3A_626 = arith.muli %scan3A_38, %mul3A_625 : i32
        %add3A_627 = arith.constant 9 : i32
        %add3A_628 = arith.addi %mul3A_626, %add3A_627 : i32
        %slice3A_629 = vector.extract_strided_slice %get3A_44 {offsets = [9], sizes = [1], strides = [1]} : vector<16xi32> to vector<1xi32>
        %squeeze3A_630 = vector.extract %slice3A_629[0] : i32 from vector<1xi32>
        %slice3A_631 = vector.extract_strided_slice %get3A_50 {offsets = [9], sizes = [1], strides = [1]} : vector<16xi32> to vector<1xi32>
        %squeeze3A_632 = vector.extract %slice3A_631[0] : i32 from vector<1xi32>
        %add3A_633 = arith.constant 0 : i32
        %add3A_634 = arith.addi %squeeze3A_630, %add3A_633 : i32
        %get3A_635 = arith.index_cast %add3A_628 : i32 to index
        %get3A_636 = arith.index_cast %add3A_634 : i32 to index
        %get3A_637 = tpu.vector_load %arg13[%get3A_635, %get3A_636] {strides = array<i32>} : memref<256x128xf32, #tpu.memory_space<vmem>>, vector<1x16xf32>,
        %get3A_638 = vector.shape_cast %get3A_637 : vector<1x16xf32> to vector<16xf32>
        %add3A_639 = arith.constant 0 : i32
        %add3A_640 = arith.addi %squeeze3A_632, %add3A_639 : i32
        %get3A_641 = arith.index_cast %add3A_628 : i32 to index
        %get3A_642 = arith.index_cast %add3A_640 : i32 to index
        %get3A_643 = tpu.vector_load %arg14[%get3A_641, %get3A_642] {strides = array<i32>} : memref<256x128xf32, #tpu.memory_space<vmem>>, vector<1x16xf32>,
        %get3A_644 = vector.shape_cast %get3A_643 : vector<1x16xf32> to vector<16xf32>
        %mul3A_645 = arith.mulf %get3A_638, %get3A_644 : vector<16xf32>
        %add3A_646 = arith.addf %add3A_624, %mul3A_645 : vector<16xf32>
        %add3A_647 = arith.constant 16 : i32
        %add3A_648 = arith.addi %squeeze3A_630, %add3A_647 : i32
        %get3A_649 = arith.index_cast %add3A_628 : i32 to index
        %get3A_650 = arith.index_cast %add3A_648 : i32 to index
        %get3A_651 = tpu.vector_load %arg13[%get3A_649, %get3A_650] {strides = array<i32>} : memref<256x128xf32, #tpu.memory_space<vmem>>, vector<1x16xf32>,
        %get3A_652 = vector.shape_cast %get3A_651 : vector<1x16xf32> to vector<16xf32>
        %add3A_653 = arith.constant 16 : i32
        %add3A_654 = arith.addi %squeeze3A_632, %add3A_653 : i32
        %get3A_655 = arith.index_cast %add3A_628 : i32 to index
        %get3A_656 = arith.index_cast %add3A_654 : i32 to index
        %get3A_657 = tpu.vector_load %arg14[%get3A_655, %get3A_656] {strides = array<i32>} : memref<256x128xf32, #tpu.memory_space<vmem>>, vector<1x16xf32>,
        %get3A_658 = vector.shape_cast %get3A_657 : vector<1x16xf32> to vector<16xf32>
        %mul3A_659 = arith.mulf %get3A_652, %get3A_658 : vector<16xf32>
        %add3A_660 = arith.addf %add3A_646, %mul3A_659 : vector<16xf32>
        %add3A_661 = arith.constant 32 : i32
        %add3A_662 = arith.addi %squeeze3A_630, %add3A_661 : i32
        %get3A_663 = arith.index_cast %add3A_628 : i32 to index
        %get3A_664 = arith.index_cast %add3A_662 : i32 to index
        %get3A_665 = tpu.vector_load %arg13[%get3A_663, %get3A_664] {strides = array<i32>} : memref<256x128xf32, #tpu.memory_space<vmem>>, vector<1x16xf32>,
        %get3A_666 = vector.shape_cast %get3A_665 : vector<1x16xf32> to vector<16xf32>
        %add3A_667 = arith.constant 32 : i32
        %add3A_668 = arith.addi %squeeze3A_632, %add3A_667 : i32
        %get3A_669 = arith.index_cast %add3A_628 : i32 to index
        %get3A_670 = arith.index_cast %add3A_668 : i32 to index
        %get3A_671 = tpu.vector_load %arg14[%get3A_669, %get3A_670] {strides = array<i32>} : memref<256x128xf32, #tpu.memory_space<vmem>>, vector<1x16xf32>,
        %get3A_672 = vector.shape_cast %get3A_671 : vector<1x16xf32> to vector<16xf32>
        %mul3A_673 = arith.mulf %get3A_666, %get3A_672 : vector<16xf32>
        %add3A_674 = arith.addf %add3A_660, %mul3A_673 : vector<16xf32>
        %add3A_675 = arith.constant 48 : i32
        %add3A_676 = arith.addi %squeeze3A_630, %add3A_675 : i32
        %get3A_677 = arith.index_cast %add3A_628 : i32 to index
        %get3A_678 = arith.index_cast %add3A_676 : i32 to index
        %get3A_679 = tpu.vector_load %arg13[%get3A_677, %get3A_678] {strides = array<i32>} : memref<256x128xf32, #tpu.memory_space<vmem>>, vector<1x16xf32>,
        %get3A_680 = vector.shape_cast %get3A_679 : vector<1x16xf32> to vector<16xf32>
        %add3A_681 = arith.constant 48 : i32
        %add3A_682 = arith.addi %squeeze3A_632, %add3A_681 : i32
        %get3A_683 = arith.index_cast %add3A_628 : i32 to index
        %get3A_684 = arith.index_cast %add3A_682 : i32 to index
        %get3A_685 = tpu.vector_load %arg14[%get3A_683, %get3A_684] {strides = array<i32>} : memref<256x128xf32, #tpu.memory_space<vmem>>, vector<1x16xf32>,
        %get3A_686 = vector.shape_cast %get3A_685 : vector<1x16xf32> to vector<16xf32>
        %mul3A_687 = arith.mulf %get3A_680, %get3A_686 : vector<16xf32>
        %add3A_688 = arith.addf %add3A_674, %mul3A_687 : vector<16xf32>
        %mul3A_689 = arith.constant 16 : i32
        %mul3A_690 = arith.muli %scan3A_38, %mul3A_689 : i32
        %add3A_691 = arith.constant 10 : i32
        %add3A_692 = arith.addi %mul3A_690, %add3A_691 : i32
        %slice3A_693 = vector.extract_strided_slice %get3A_44 {offsets = [10], sizes = [1], strides = [1]} : vector<16xi32> to vector<1xi32>
        %squeeze3A_694 = vector.extract %slice3A_693[0] : i32 from vector<1xi32>
        %slice3A_695 = vector.extract_strided_slice %get3A_50 {offsets = [10], sizes = [1], strides = [1]} : vector<16xi32> to vector<1xi32>
        %squeeze3A_696 = vector.extract %slice3A_695[0] : i32 from vector<1xi32>
        %add3A_697 = arith.constant 0 : i32
        %add3A_698 = arith.addi %squeeze3A_694, %add3A_697 : i32
        %get3A_699 = arith.index_cast %add3A_692 : i32 to index
        %get3A_700 = arith.index_cast %add3A_698 : i32 to index
        %get3A_701 = tpu.vector_load %arg13[%get3A_699, %get3A_700] {strides = array<i32>} : memref<256x128xf32, #tpu.memory_space<vmem>>, vector<1x16xf32>,
        %get3A_702 = vector.shape_cast %get3A_701 : vector<1x16xf32> to vector<16xf32>
        %add3A_703 = arith.constant 0 : i32
        %add3A_704 = arith.addi %squeeze3A_696, %add3A_703 : i32
        %get3A_705 = arith.index_cast %add3A_692 : i32 to index
        %get3A_706 = arith.index_cast %add3A_704 : i32 to index
        %get3A_707 = tpu.vector_load %arg14[%get3A_705, %get3A_706] {strides = array<i32>} : memref<256x128xf32, #tpu.memory_space<vmem>>, vector<1x16xf32>,
        %get3A_708 = vector.shape_cast %get3A_707 : vector<1x16xf32> to vector<16xf32>
        %mul3A_709 = arith.mulf %get3A_702, %get3A_708 : vector<16xf32>
        %add3A_710 = arith.addf %add3A_688, %mul3A_709 : vector<16xf32>
        %add3A_711 = arith.constant 16 : i32
        %add3A_712 = arith.addi %squeeze3A_694, %add3A_711 : i32
        %get3A_713 = arith.index_cast %add3A_692 : i32 to index
        %get3A_714 = arith.index_cast %add3A_712 : i32 to index
        %get3A_715 = tpu.vector_load %arg13[%get3A_713, %get3A_714] {strides = array<i32>} : memref<256x128xf32, #tpu.memory_space<vmem>>, vector<1x16xf32>,
        %get3A_716 = vector.shape_cast %get3A_715 : vector<1x16xf32> to vector<16xf32>
        %add3A_717 = arith.constant 16 : i32
        %add3A_718 = arith.addi %squeeze3A_696, %add3A_717 : i32
        %get3A_719 = arith.index_cast %add3A_692 : i32 to index
        %get3A_720 = arith.index_cast %add3A_718 : i32 to index
        %get3A_721 = tpu.vector_load %arg14[%get3A_719, %get3A_720] {strides = array<i32>} : memref<256x128xf32, #tpu.memory_space<vmem>>, vector<1x16xf32>,
        %get3A_722 = vector.shape_cast %get3A_721 : vector<1x16xf32> to vector<16xf32>
        %mul3A_723 = arith.mulf %get3A_716, %get3A_722 : vector<16xf32>
        %add3A_724 = arith.addf %add3A_710, %mul3A_723 : vector<16xf32>
        %add3A_725 = arith.constant 32 : i32
        %add3A_726 = arith.addi %squeeze3A_694, %add3A_725 : i32
        %get3A_727 = arith.index_cast %add3A_692 : i32 to index
        %get3A_728 = arith.index_cast %add3A_726 : i32 to index
        %get3A_729 = tpu.vector_load %arg13[%get3A_727, %get3A_728] {strides = array<i32>} : memref<256x128xf32, #tpu.memory_space<vmem>>, vector<1x16xf32>,
        %get3A_730 = vector.shape_cast %get3A_729 : vector<1x16xf32> to vector<16xf32>
        %add3A_731 = arith.constant 32 : i32
        %add3A_732 = arith.addi %squeeze3A_696, %add3A_731 : i32
        %get3A_733 = arith.index_cast %add3A_692 : i32 to index
        %get3A_734 = arith.index_cast %add3A_732 : i32 to index
        %get3A_735 = tpu.vector_load %arg14[%get3A_733, %get3A_734] {strides = array<i32>} : memref<256x128xf32, #tpu.memory_space<vmem>>, vector<1x16xf32>,
        %get3A_736 = vector.shape_cast %get3A_735 : vector<1x16xf32> to vector<16xf32>
        %mul3A_737 = arith.mulf %get3A_730, %get3A_736 : vector<16xf32>
        %add3A_738 = arith.addf %add3A_724, %mul3A_737 : vector<16xf32>
        %add3A_739 = arith.constant 48 : i32
        %add3A_740 = arith.addi %squeeze3A_694, %add3A_739 : i32
        %get3A_741 = arith.index_cast %add3A_692 : i32 to index
        %get3A_742 = arith.index_cast %add3A_740 : i32 to index
        %get3A_743 = tpu.vector_load %arg13[%get3A_741, %get3A_742] {strides = array<i32>} : memref<256x128xf32, #tpu.memory_space<vmem>>, vector<1x16xf32>,
        %get3A_744 = vector.shape_cast %get3A_743 : vector<1x16xf32> to vector<16xf32>
        %add3A_745 = arith.constant 48 : i32
        %add3A_746 = arith.addi %squeeze3A_696, %add3A_745 : i32
        %get3A_747 = arith.index_cast %add3A_692 : i32 to index
        %get3A_748 = arith.index_cast %add3A_746 : i32 to index
        %get3A_749 = tpu.vector_load %arg14[%get3A_747, %get3A_748] {strides = array<i32>} : memref<256x128xf32, #tpu.memory_space<vmem>>, vector<1x16xf32>,
        %get3A_750 = vector.shape_cast %get3A_749 : vector<1x16xf32> to vector<16xf32>
        %mul3A_751 = arith.mulf %get3A_744, %get3A_750 : vector<16xf32>
        %add3A_752 = arith.addf %add3A_738, %mul3A_751 : vector<16xf32>
        %mul3A_753 = arith.constant 16 : i32
        %mul3A_754 = arith.muli %scan3A_38, %mul3A_753 : i32
        %add3A_755 = arith.constant 11 : i32
        %add3A_756 = arith.addi %mul3A_754, %add3A_755 : i32
        %slice3A_757 = vector.extract_strided_slice %get3A_44 {offsets = [11], sizes = [1], strides = [1]} : vector<16xi32> to vector<1xi32>
        %squeeze3A_758 = vector.extract %slice3A_757[0] : i32 from vector<1xi32>
        %slice3A_759 = vector.extract_strided_slice %get3A_50 {offsets = [11], sizes = [1], strides = [1]} : vector<16xi32> to vector<1xi32>
        %squeeze3A_760 = vector.extract %slice3A_759[0] : i32 from vector<1xi32>
        %add3A_761 = arith.constant 0 : i32
        %add3A_762 = arith.addi %squeeze3A_758, %add3A_761 : i32
        %get3A_763 = arith.index_cast %add3A_756 : i32 to index
        %get3A_764 = arith.index_cast %add3A_762 : i32 to index
        %get3A_765 = tpu.vector_load %arg13[%get3A_763, %get3A_764] {strides = array<i32>} : memref<256x128xf32, #tpu.memory_space<vmem>>, vector<1x16xf32>,
        %get3A_766 = vector.shape_cast %get3A_765 : vector<1x16xf32> to vector<16xf32>
        %add3A_767 = arith.constant 0 : i32
        %add3A_768 = arith.addi %squeeze3A_760, %add3A_767 : i32
        %get3A_769 = arith.index_cast %add3A_756 : i32 to index
        %get3A_770 = arith.index_cast %add3A_768 : i32 to index
        %get3A_771 = tpu.vector_load %arg14[%get3A_769, %get3A_770] {strides = array<i32>} : memref<256x128xf32, #tpu.memory_space<vmem>>, vector<1x16xf32>,
        %get3A_772 = vector.shape_cast %get3A_771 : vector<1x16xf32> to vector<16xf32>
        %mul3A_773 = arith.mulf %get3A_766, %get3A_772 : vector<16xf32>
        %add3A_774 = arith.addf %add3A_752, %mul3A_773 : vector<16xf32>
        %add3A_775 = arith.constant 16 : i32
        %add3A_776 = arith.addi %squeeze3A_758, %add3A_775 : i32
        %get3A_777 = arith.index_cast %add3A_756 : i32 to index
        %get3A_778 = arith.index_cast %add3A_776 : i32 to index
        %get3A_779 = tpu.vector_load %arg13[%get3A_777, %get3A_778] {strides = array<i32>} : memref<256x128xf32, #tpu.memory_space<vmem>>, vector<1x16xf32>,
        %get3A_780 = vector.shape_cast %get3A_779 : vector<1x16xf32> to vector<16xf32>
        %add3A_781 = arith.constant 16 : i32
        %add3A_782 = arith.addi %squeeze3A_760, %add3A_781 : i32
        %get3A_783 = arith.index_cast %add3A_756 : i32 to index
        %get3A_784 = arith.index_cast %add3A_782 : i32 to index
        %get3A_785 = tpu.vector_load %arg14[%get3A_783, %get3A_784] {strides = array<i32>} : memref<256x128xf32, #tpu.memory_space<vmem>>, vector<1x16xf32>,
        %get3A_786 = vector.shape_cast %get3A_785 : vector<1x16xf32> to vector<16xf32>
        %mul3A_787 = arith.mulf %get3A_780, %get3A_786 : vector<16xf32>
        %add3A_788 = arith.addf %add3A_774, %mul3A_787 : vector<16xf32>
        %add3A_789 = arith.constant 32 : i32
        %add3A_790 = arith.addi %squeeze3A_758, %add3A_789 : i32
        %get3A_791 = arith.index_cast %add3A_756 : i32 to index
        %get3A_792 = arith.index_cast %add3A_790 : i32 to index
        %get3A_793 = tpu.vector_load %arg13[%get3A_791, %get3A_792] {strides = array<i32>} : memref<256x128xf32, #tpu.memory_space<vmem>>, vector<1x16xf32>,
        %get3A_794 = vector.shape_cast %get3A_793 : vector<1x16xf32> to vector<16xf32>
        %add3A_795 = arith.constant 32 : i32
        %add3A_796 = arith.addi %squeeze3A_760, %add3A_795 : i32
        %get3A_797 = arith.index_cast %add3A_756 : i32 to index
        %get3A_798 = arith.index_cast %add3A_796 : i32 to index
        %get3A_799 = tpu.vector_load %arg14[%get3A_797, %get3A_798] {strides = array<i32>} : memref<256x128xf32, #tpu.memory_space<vmem>>, vector<1x16xf32>,
        %get3A_800 = vector.shape_cast %get3A_799 : vector<1x16xf32> to vector<16xf32>
        %mul3A_801 = arith.mulf %get3A_794, %get3A_800 : vector<16xf32>
        %add3A_802 = arith.addf %add3A_788, %mul3A_801 : vector<16xf32>
        %add3A_803 = arith.constant 48 : i32
        %add3A_804 = arith.addi %squeeze3A_758, %add3A_803 : i32
        %get3A_805 = arith.index_cast %add3A_756 : i32 to index
        %get3A_806 = arith.index_cast %add3A_804 : i32 to index
        %get3A_807 = tpu.vector_load %arg13[%get3A_805, %get3A_806] {strides = array<i32>} : memref<256x128xf32, #tpu.memory_space<vmem>>, vector<1x16xf32>,
        %get3A_808 = vector.shape_cast %get3A_807 : vector<1x16xf32> to vector<16xf32>
        %add3A_809 = arith.constant 48 : i32
        %add3A_810 = arith.addi %squeeze3A_760, %add3A_809 : i32
        %get3A_811 = arith.index_cast %add3A_756 : i32 to index
        %get3A_812 = arith.index_cast %add3A_810 : i32 to index
        %get3A_813 = tpu.vector_load %arg14[%get3A_811, %get3A_812] {strides = array<i32>} : memref<256x128xf32, #tpu.memory_space<vmem>>, vector<1x16xf32>,
        %get3A_814 = vector.shape_cast %get3A_813 : vector<1x16xf32> to vector<16xf32>
        %mul3A_815 = arith.mulf %get3A_808, %get3A_814 : vector<16xf32>
        %add3A_816 = arith.addf %add3A_802, %mul3A_815 : vector<16xf32>
        %mul3A_817 = arith.constant 16 : i32
        %mul3A_818 = arith.muli %scan3A_38, %mul3A_817 : i32
        %add3A_819 = arith.constant 12 : i32
        %add3A_820 = arith.addi %mul3A_818, %add3A_819 : i32
        %slice3A_821 = vector.extract_strided_slice %get3A_44 {offsets = [12], sizes = [1], strides = [1]} : vector<16xi32> to vector<1xi32>
        %squeeze3A_822 = vector.extract %slice3A_821[0] : i32 from vector<1xi32>
        %slice3A_823 = vector.extract_strided_slice %get3A_50 {offsets = [12], sizes = [1], strides = [1]} : vector<16xi32> to vector<1xi32>
        %squeeze3A_824 = vector.extract %slice3A_823[0] : i32 from vector<1xi32>
        %add3A_825 = arith.constant 0 : i32
        %add3A_826 = arith.addi %squeeze3A_822, %add3A_825 : i32
        %get3A_827 = arith.index_cast %add3A_820 : i32 to index
        %get3A_828 = arith.index_cast %add3A_826 : i32 to index
        %get3A_829 = tpu.vector_load %arg13[%get3A_827, %get3A_828] {strides = array<i32>} : memref<256x128xf32, #tpu.memory_space<vmem>>, vector<1x16xf32>,
        %get3A_830 = vector.shape_cast %get3A_829 : vector<1x16xf32> to vector<16xf32>
        %add3A_831 = arith.constant 0 : i32
        %add3A_832 = arith.addi %squeeze3A_824, %add3A_831 : i32
        %get3A_833 = arith.index_cast %add3A_820 : i32 to index
        %get3A_834 = arith.index_cast %add3A_832 : i32 to index
        %get3A_835 = tpu.vector_load %arg14[%get3A_833, %get3A_834] {strides = array<i32>} : memref<256x128xf32, #tpu.memory_space<vmem>>, vector<1x16xf32>,
        %get3A_836 = vector.shape_cast %get3A_835 : vector<1x16xf32> to vector<16xf32>
        %mul3A_837 = arith.mulf %get3A_830, %get3A_836 : vector<16xf32>
        %add3A_838 = arith.addf %add3A_816, %mul3A_837 : vector<16xf32>
        %add3A_839 = arith.constant 16 : i32
        %add3A_840 = arith.addi %squeeze3A_822, %add3A_839 : i32
        %get3A_841 = arith.index_cast %add3A_820 : i32 to index
        %get3A_842 = arith.index_cast %add3A_840 : i32 to index
        %get3A_843 = tpu.vector_load %arg13[%get3A_841, %get3A_842] {strides = array<i32>} : memref<256x128xf32, #tpu.memory_space<vmem>>, vector<1x16xf32>,
        %get3A_844 = vector.shape_cast %get3A_843 : vector<1x16xf32> to vector<16xf32>
        %add3A_845 = arith.constant 16 : i32
        %add3A_846 = arith.addi %squeeze3A_824, %add3A_845 : i32
        %get3A_847 = arith.index_cast %add3A_820 : i32 to index
        %get3A_848 = arith.index_cast %add3A_846 : i32 to index
        %get3A_849 = tpu.vector_load %arg14[%get3A_847, %get3A_848] {strides = array<i32>} : memref<256x128xf32, #tpu.memory_space<vmem>>, vector<1x16xf32>,
        %get3A_850 = vector.shape_cast %get3A_849 : vector<1x16xf32> to vector<16xf32>
        %mul3A_851 = arith.mulf %get3A_844, %get3A_850 : vector<16xf32>
        %add3A_852 = arith.addf %add3A_838, %mul3A_851 : vector<16xf32>
        %add3A_853 = arith.constant 32 : i32
        %add3A_854 = arith.addi %squeeze3A_822, %add3A_853 : i32
        %get3A_855 = arith.index_cast %add3A_820 : i32 to index
        %get3A_856 = arith.index_cast %add3A_854 : i32 to index
        %get3A_857 = tpu.vector_load %arg13[%get3A_855, %get3A_856] {strides = array<i32>} : memref<256x128xf32, #tpu.memory_space<vmem>>, vector<1x16xf32>,
        %get3A_858 = vector.shape_cast %get3A_857 : vector<1x16xf32> to vector<16xf32>
        %add3A_859 = arith.constant 32 : i32
        %add3A_860 = arith.addi %squeeze3A_824, %add3A_859 : i32
        %get3A_861 = arith.index_cast %add3A_820 : i32 to index
        %get3A_862 = arith.index_cast %add3A_860 : i32 to index
        %get3A_863 = tpu.vector_load %arg14[%get3A_861, %get3A_862] {strides = array<i32>} : memref<256x128xf32, #tpu.memory_space<vmem>>, vector<1x16xf32>,
        %get3A_864 = vector.shape_cast %get3A_863 : vector<1x16xf32> to vector<16xf32>
        %mul3A_865 = arith.mulf %get3A_858, %get3A_864 : vector<16xf32>
        %add3A_866 = arith.addf %add3A_852, %mul3A_865 : vector<16xf32>
        %add3A_867 = arith.constant 48 : i32
        %add3A_868 = arith.addi %squeeze3A_822, %add3A_867 : i32
        %get3A_869 = arith.index_cast %add3A_820 : i32 to index
        %get3A_870 = arith.index_cast %add3A_868 : i32 to index
        %get3A_871 = tpu.vector_load %arg13[%get3A_869, %get3A_870] {strides = array<i32>} : memref<256x128xf32, #tpu.memory_space<vmem>>, vector<1x16xf32>,
        %get3A_872 = vector.shape_cast %get3A_871 : vector<1x16xf32> to vector<16xf32>
        %add3A_873 = arith.constant 48 : i32
        %add3A_874 = arith.addi %squeeze3A_824, %add3A_873 : i32
        %get3A_875 = arith.index_cast %add3A_820 : i32 to index
        %get3A_876 = arith.index_cast %add3A_874 : i32 to index
        %get3A_877 = tpu.vector_load %arg14[%get3A_875, %get3A_876] {strides = array<i32>} : memref<256x128xf32, #tpu.memory_space<vmem>>, vector<1x16xf32>,
        %get3A_878 = vector.shape_cast %get3A_877 : vector<1x16xf32> to vector<16xf32>
        %mul3A_879 = arith.mulf %get3A_872, %get3A_878 : vector<16xf32>
        %add3A_880 = arith.addf %add3A_866, %mul3A_879 : vector<16xf32>
        %mul3A_881 = arith.constant 16 : i32
        %mul3A_882 = arith.muli %scan3A_38, %mul3A_881 : i32
        %add3A_883 = arith.constant 13 : i32
        %add3A_884 = arith.addi %mul3A_882, %add3A_883 : i32
        %slice3A_885 = vector.extract_strided_slice %get3A_44 {offsets = [13], sizes = [1], strides = [1]} : vector<16xi32> to vector<1xi32>
        %squeeze3A_886 = vector.extract %slice3A_885[0] : i32 from vector<1xi32>
        %slice3A_887 = vector.extract_strided_slice %get3A_50 {offsets = [13], sizes = [1], strides = [1]} : vector<16xi32> to vector<1xi32>
        %squeeze3A_888 = vector.extract %slice3A_887[0] : i32 from vector<1xi32>
        %add3A_889 = arith.constant 0 : i32
        %add3A_890 = arith.addi %squeeze3A_886, %add3A_889 : i32
        %get3A_891 = arith.index_cast %add3A_884 : i32 to index
        %get3A_892 = arith.index_cast %add3A_890 : i32 to index
        %get3A_893 = tpu.vector_load %arg13[%get3A_891, %get3A_892] {strides = array<i32>} : memref<256x128xf32, #tpu.memory_space<vmem>>, vector<1x16xf32>,
        %get3A_894 = vector.shape_cast %get3A_893 : vector<1x16xf32> to vector<16xf32>
        %add3A_895 = arith.constant 0 : i32
        %add3A_896 = arith.addi %squeeze3A_888, %add3A_895 : i32
        %get3A_897 = arith.index_cast %add3A_884 : i32 to index
        %get3A_898 = arith.index_cast %add3A_896 : i32 to index
        %get3A_899 = tpu.vector_load %arg14[%get3A_897, %get3A_898] {strides = array<i32>} : memref<256x128xf32, #tpu.memory_space<vmem>>, vector<1x16xf32>,
        %get3A_900 = vector.shape_cast %get3A_899 : vector<1x16xf32> to vector<16xf32>
        %mul3A_901 = arith.mulf %get3A_894, %get3A_900 : vector<16xf32>
        %add3A_902 = arith.addf %add3A_880, %mul3A_901 : vector<16xf32>
        %add3A_903 = arith.constant 16 : i32
        %add3A_904 = arith.addi %squeeze3A_886, %add3A_903 : i32
        %get3A_905 = arith.index_cast %add3A_884 : i32 to index
        %get3A_906 = arith.index_cast %add3A_904 : i32 to index
        %get3A_907 = tpu.vector_load %arg13[%get3A_905, %get3A_906] {strides = array<i32>} : memref<256x128xf32, #tpu.memory_space<vmem>>, vector<1x16xf32>,
        %get3A_908 = vector.shape_cast %get3A_907 : vector<1x16xf32> to vector<16xf32>
        %add3A_909 = arith.constant 16 : i32
        %add3A_910 = arith.addi %squeeze3A_888, %add3A_909 : i32
        %get3A_911 = arith.index_cast %add3A_884 : i32 to index
        %get3A_912 = arith.index_cast %add3A_910 : i32 to index
        %get3A_913 = tpu.vector_load %arg14[%get3A_911, %get3A_912] {strides = array<i32>} : memref<256x128xf32, #tpu.memory_space<vmem>>, vector<1x16xf32>,
        %get3A_914 = vector.shape_cast %get3A_913 : vector<1x16xf32> to vector<16xf32>
        %mul3A_915 = arith.mulf %get3A_908, %get3A_914 : vector<16xf32>
        %add3A_916 = arith.addf %add3A_902, %mul3A_915 : vector<16xf32>
        %add3A_917 = arith.constant 32 : i32
        %add3A_918 = arith.addi %squeeze3A_886, %add3A_917 : i32
        %get3A_919 = arith.index_cast %add3A_884 : i32 to index
        %get3A_920 = arith.index_cast %add3A_918 : i32 to index
        %get3A_921 = tpu.vector_load %arg13[%get3A_919, %get3A_920] {strides = array<i32>} : memref<256x128xf32, #tpu.memory_space<vmem>>, vector<1x16xf32>,
        %get3A_922 = vector.shape_cast %get3A_921 : vector<1x16xf32> to vector<16xf32>
        %add3A_923 = arith.constant 32 : i32
        %add3A_924 = arith.addi %squeeze3A_888, %add3A_923 : i32
        %get3A_925 = arith.index_cast %add3A_884 : i32 to index
        %get3A_926 = arith.index_cast %add3A_924 : i32 to index
        %get3A_927 = tpu.vector_load %arg14[%get3A_925, %get3A_926] {strides = array<i32>} : memref<256x128xf32, #tpu.memory_space<vmem>>, vector<1x16xf32>,
        %get3A_928 = vector.shape_cast %get3A_927 : vector<1x16xf32> to vector<16xf32>
        %mul3A_929 = arith.mulf %get3A_922, %get3A_928 : vector<16xf32>
        %add3A_930 = arith.addf %add3A_916, %mul3A_929 : vector<16xf32>
        %add3A_931 = arith.constant 48 : i32
        %add3A_932 = arith.addi %squeeze3A_886, %add3A_931 : i32
        %get3A_933 = arith.index_cast %add3A_884 : i32 to index
        %get3A_934 = arith.index_cast %add3A_932 : i32 to index
        %get3A_935 = tpu.vector_load %arg13[%get3A_933, %get3A_934] {strides = array<i32>} : memref<256x128xf32, #tpu.memory_space<vmem>>, vector<1x16xf32>,
        %get3A_936 = vector.shape_cast %get3A_935 : vector<1x16xf32> to vector<16xf32>
        %add3A_937 = arith.constant 48 : i32
        %add3A_938 = arith.addi %squeeze3A_888, %add3A_937 : i32
        %get3A_939 = arith.index_cast %add3A_884 : i32 to index
        %get3A_940 = arith.index_cast %add3A_938 : i32 to index
        %get3A_941 = tpu.vector_load %arg14[%get3A_939, %get3A_940] {strides = array<i32>} : memref<256x128xf32, #tpu.memory_space<vmem>>, vector<1x16xf32>,
        %get3A_942 = vector.shape_cast %get3A_941 : vector<1x16xf32> to vector<16xf32>
        %mul3A_943 = arith.mulf %get3A_936, %get3A_942 : vector<16xf32>
        %add3A_944 = arith.addf %add3A_930, %mul3A_943 : vector<16xf32>
        %mul3A_945 = arith.constant 16 : i32
        %mul3A_946 = arith.muli %scan3A_38, %mul3A_945 : i32
        %add3A_947 = arith.constant 14 : i32
        %add3A_948 = arith.addi %mul3A_946, %add3A_947 : i32
        %slice3A_949 = vector.extract_strided_slice %get3A_44 {offsets = [14], sizes = [1], strides = [1]} : vector<16xi32> to vector<1xi32>
        %squeeze3A_950 = vector.extract %slice3A_949[0] : i32 from vector<1xi32>
        %slice3A_951 = vector.extract_strided_slice %get3A_50 {offsets = [14], sizes = [1], strides = [1]} : vector<16xi32> to vector<1xi32>
        %squeeze3A_952 = vector.extract %slice3A_951[0] : i32 from vector<1xi32>
        %add3A_953 = arith.constant 0 : i32
        %add3A_954 = arith.addi %squeeze3A_950, %add3A_953 : i32
        %get3A_955 = arith.index_cast %add3A_948 : i32 to index
        %get3A_956 = arith.index_cast %add3A_954 : i32 to index
        %get3A_957 = tpu.vector_load %arg13[%get3A_955, %get3A_956] {strides = array<i32>} : memref<256x128xf32, #tpu.memory_space<vmem>>, vector<1x16xf32>,
        %get3A_958 = vector.shape_cast %get3A_957 : vector<1x16xf32> to vector<16xf32>
        %add3A_959 = arith.constant 0 : i32
        %add3A_960 = arith.addi %squeeze3A_952, %add3A_959 : i32
        %get3A_961 = arith.index_cast %add3A_948 : i32 to index
        %get3A_962 = arith.index_cast %add3A_960 : i32 to index
        %get3A_963 = tpu.vector_load %arg14[%get3A_961, %get3A_962] {strides = array<i32>} : memref<256x128xf32, #tpu.memory_space<vmem>>, vector<1x16xf32>,
        %get3A_964 = vector.shape_cast %get3A_963 : vector<1x16xf32> to vector<16xf32>
        %mul3A_965 = arith.mulf %get3A_958, %get3A_964 : vector<16xf32>
        %add3A_966 = arith.addf %add3A_944, %mul3A_965 : vector<16xf32>
        %add3A_967 = arith.constant 16 : i32
        %add3A_968 = arith.addi %squeeze3A_950, %add3A_967 : i32
        %get3A_969 = arith.index_cast %add3A_948 : i32 to index
        %get3A_970 = arith.index_cast %add3A_968 : i32 to index
        %get3A_971 = tpu.vector_load %arg13[%get3A_969, %get3A_970] {strides = array<i32>} : memref<256x128xf32, #tpu.memory_space<vmem>>, vector<1x16xf32>,
        %get3A_972 = vector.shape_cast %get3A_971 : vector<1x16xf32> to vector<16xf32>
        %add3A_973 = arith.constant 16 : i32
        %add3A_974 = arith.addi %squeeze3A_952, %add3A_973 : i32
        %get3A_975 = arith.index_cast %add3A_948 : i32 to index
        %get3A_976 = arith.index_cast %add3A_974 : i32 to index
        %get3A_977 = tpu.vector_load %arg14[%get3A_975, %get3A_976] {strides = array<i32>} : memref<256x128xf32, #tpu.memory_space<vmem>>, vector<1x16xf32>,
        %get3A_978 = vector.shape_cast %get3A_977 : vector<1x16xf32> to vector<16xf32>
        %mul3A_979 = arith.mulf %get3A_972, %get3A_978 : vector<16xf32>
        %add3A_980 = arith.addf %add3A_966, %mul3A_979 : vector<16xf32>
        %add3A_981 = arith.constant 32 : i32
        %add3A_982 = arith.addi %squeeze3A_950, %add3A_981 : i32
        %get3A_983 = arith.index_cast %add3A_948 : i32 to index
        %get3A_984 = arith.index_cast %add3A_982 : i32 to index
        %get3A_985 = tpu.vector_load %arg13[%get3A_983, %get3A_984] {strides = array<i32>} : memref<256x128xf32, #tpu.memory_space<vmem>>, vector<1x16xf32>,
        %get3A_986 = vector.shape_cast %get3A_985 : vector<1x16xf32> to vector<16xf32>
        %add3A_987 = arith.constant 32 : i32
        %add3A_988 = arith.addi %squeeze3A_952, %add3A_987 : i32
        %get3A_989 = arith.index_cast %add3A_948 : i32 to index
        %get3A_990 = arith.index_cast %add3A_988 : i32 to index
        %get3A_991 = tpu.vector_load %arg14[%get3A_989, %get3A_990] {strides = array<i32>} : memref<256x128xf32, #tpu.memory_space<vmem>>, vector<1x16xf32>,
        %get3A_992 = vector.shape_cast %get3A_991 : vector<1x16xf32> to vector<16xf32>
        %mul3A_993 = arith.mulf %get3A_986, %get3A_992 : vector<16xf32>
        %add3A_994 = arith.addf %add3A_980, %mul3A_993 : vector<16xf32>
        %add3A_995 = arith.constant 48 : i32
        %add3A_996 = arith.addi %squeeze3A_950, %add3A_995 : i32
        %get3A_997 = arith.index_cast %add3A_948 : i32 to index
        %get3A_998 = arith.index_cast %add3A_996 : i32 to index
        %get3A_999 = tpu.vector_load %arg13[%get3A_997, %get3A_998] {strides = array<i32>} : memref<256x128xf32, #tpu.memory_space<vmem>>, vector<1x16xf32>,
        %get3A_1000 = vector.shape_cast %get3A_999 : vector<1x16xf32> to vector<16xf32>
        %add3A_1001 = arith.constant 48 : i32
        %add3A_1002 = arith.addi %squeeze3A_952, %add3A_1001 : i32
        %get3A_1003 = arith.index_cast %add3A_948 : i32 to index
        %get3A_1004 = arith.index_cast %add3A_1002 : i32 to index
        %get3A_1005 = tpu.vector_load %arg14[%get3A_1003, %get3A_1004] {strides = array<i32>} : memref<256x128xf32, #tpu.memory_space<vmem>>, vector<1x16xf32>,
        %get3A_1006 = vector.shape_cast %get3A_1005 : vector<1x16xf32> to vector<16xf32>
        %mul3A_1007 = arith.mulf %get3A_1000, %get3A_1006 : vector<16xf32>
        %add3A_1008 = arith.addf %add3A_994, %mul3A_1007 : vector<16xf32>
        %mul3A_1009 = arith.constant 16 : i32
        %mul3A_1010 = arith.muli %scan3A_38, %mul3A_1009 : i32
        %add3A_1011 = arith.constant 15 : i32
        %add3A_1012 = arith.addi %mul3A_1010, %add3A_1011 : i32
        %slice3A_1013 = vector.extract_strided_slice %get3A_44 {offsets = [15], sizes = [1], strides = [1]} : vector<16xi32> to vector<1xi32>
        %squeeze3A_1014 = vector.extract %slice3A_1013[0] : i32 from vector<1xi32>
        %slice3A_1015 = vector.extract_strided_slice %get3A_50 {offsets = [15], sizes = [1], strides = [1]} : vector<16xi32> to vector<1xi32>
        %squeeze3A_1016 = vector.extract %slice3A_1015[0] : i32 from vector<1xi32>
        %add3A_1017 = arith.constant 0 : i32
        %add3A_1018 = arith.addi %squeeze3A_1014, %add3A_1017 : i32
        %get3A_1019 = arith.index_cast %add3A_1012 : i32 to index
        %get3A_1020 = arith.index_cast %add3A_1018 : i32 to index
        %get3A_1021 = tpu.vector_load %arg13[%get3A_1019, %get3A_1020] {strides = array<i32>} : memref<256x128xf32, #tpu.memory_space<vmem>>, vector<1x16xf32>,
        %get3A_1022 = vector.shape_cast %get3A_1021 : vector<1x16xf32> to vector<16xf32>
        %add3A_1023 = arith.constant 0 : i32
        %add3A_1024 = arith.addi %squeeze3A_1016, %add3A_1023 : i32
        %get3A_1025 = arith.index_cast %add3A_1012 : i32 to index
        %get3A_1026 = arith.index_cast %add3A_1024 : i32 to index
        %get3A_1027 = tpu.vector_load %arg14[%get3A_1025, %get3A_1026] {strides = array<i32>} : memref<256x128xf32, #tpu.memory_space<vmem>>, vector<1x16xf32>,
        %get3A_1028 = vector.shape_cast %get3A_1027 : vector<1x16xf32> to vector<16xf32>
        %mul3A_1029 = arith.mulf %get3A_1022, %get3A_1028 : vector<16xf32>
        %add3A_1030 = arith.addf %add3A_1008, %mul3A_1029 : vector<16xf32>
        %add3A_1031 = arith.constant 16 : i32
        %add3A_1032 = arith.addi %squeeze3A_1014, %add3A_1031 : i32
        %get3A_1033 = arith.index_cast %add3A_1012 : i32 to index
        %get3A_1034 = arith.index_cast %add3A_1032 : i32 to index
        %get3A_1035 = tpu.vector_load %arg13[%get3A_1033, %get3A_1034] {strides = array<i32>} : memref<256x128xf32, #tpu.memory_space<vmem>>, vector<1x16xf32>,
        %get3A_1036 = vector.shape_cast %get3A_1035 : vector<1x16xf32> to vector<16xf32>
        %add3A_1037 = arith.constant 16 : i32
        %add3A_1038 = arith.addi %squeeze3A_1016, %add3A_1037 : i32
        %get3A_1039 = arith.index_cast %add3A_1012 : i32 to index
        %get3A_1040 = arith.index_cast %add3A_1038 : i32 to index
        %get3A_1041 = tpu.vector_load %arg14[%get3A_1039, %get3A_1040] {strides = array<i32>} : memref<256x128xf32, #tpu.memory_space<vmem>>, vector<1x16xf32>,
        %get3A_1042 = vector.shape_cast %get3A_1041 : vector<1x16xf32> to vector<16xf32>
        %mul3A_1043 = arith.mulf %get3A_1036, %get3A_1042 : vector<16xf32>
        %add3A_1044 = arith.addf %add3A_1030, %mul3A_1043 : vector<16xf32>
        %add3A_1045 = arith.constant 32 : i32
        %add3A_1046 = arith.addi %squeeze3A_1014, %add3A_1045 : i32
        %get3A_1047 = arith.index_cast %add3A_1012 : i32 to index
        %get3A_1048 = arith.index_cast %add3A_1046 : i32 to index
        %get3A_1049 = tpu.vector_load %arg13[%get3A_1047, %get3A_1048] {strides = array<i32>} : memref<256x128xf32, #tpu.memory_space<vmem>>, vector<1x16xf32>,
        %get3A_1050 = vector.shape_cast %get3A_1049 : vector<1x16xf32> to vector<16xf32>
        %add3A_1051 = arith.constant 32 : i32
        %add3A_1052 = arith.addi %squeeze3A_1016, %add3A_1051 : i32
        %get3A_1053 = arith.index_cast %add3A_1012 : i32 to index
        %get3A_1054 = arith.index_cast %add3A_1052 : i32 to index
        %get3A_1055 = tpu.vector_load %arg14[%get3A_1053, %get3A_1054] {strides = array<i32>} : memref<256x128xf32, #tpu.memory_space<vmem>>, vector<1x16xf32>,
        %get3A_1056 = vector.shape_cast %get3A_1055 : vector<1x16xf32> to vector<16xf32>
        %mul3A_1057 = arith.mulf %get3A_1050, %get3A_1056 : vector<16xf32>
        %add3A_1058 = arith.addf %add3A_1044, %mul3A_1057 : vector<16xf32>
        %add3A_1059 = arith.constant 48 : i32
        %add3A_1060 = arith.addi %squeeze3A_1014, %add3A_1059 : i32
        %get3A_1061 = arith.index_cast %add3A_1012 : i32 to index
        %get3A_1062 = arith.index_cast %add3A_1060 : i32 to index
        %get3A_1063 = tpu.vector_load %arg13[%get3A_1061, %get3A_1062] {strides = array<i32>} : memref<256x128xf32, #tpu.memory_space<vmem>>, vector<1x16xf32>,
        %get3A_1064 = vector.shape_cast %get3A_1063 : vector<1x16xf32> to vector<16xf32>
        %add3A_1065 = arith.constant 48 : i32
        %add3A_1066 = arith.addi %squeeze3A_1016, %add3A_1065 : i32
        %get3A_1067 = arith.index_cast %add3A_1012 : i32 to index
        %get3A_1068 = arith.index_cast %add3A_1066 : i32 to index
        %get3A_1069 = tpu.vector_load %arg14[%get3A_1067, %get3A_1068] {strides = array<i32>} : memref<256x128xf32, #tpu.memory_space<vmem>>, vector<1x16xf32>,
        %get3A_1070 = vector.shape_cast %get3A_1069 : vector<1x16xf32> to vector<16xf32>
        %mul3A_1071 = arith.mulf %get3A_1064, %get3A_1070 : vector<16xf32>
        %add3A_1072 = arith.addf %add3A_1058, %mul3A_1071 : vector<16xf32>
        scf.yield %add3A_1072 : vector<16xf32>
      }
      %scan3A_37 = arith.constant 16 : i32
      scf.yield %scan3A_36 : vector<16xf32>
    }
    %scan3A_8 = arith.constant 2 : i32
    %swap3A = arith.constant 0 : index
    %swap3A_9 = tpu.vector_load %arg15[%swap3A] {strides = array<i32>} : memref<16xf32, #tpu.memory_space<vmem>>, vector<16xf32>,
    %swap3A_10 = vector.shape_cast %swap3A_9 : vector<16xf32> to vector<16xf32>
    %swap3A_11 = vector.shape_cast %scan3A_7 : vector<16xf32> to vector<16xf32>
    tpu.vector_store %arg15[%swap3A], %swap3A_11 {strides = array<i32>} : memref<16xf32, #tpu.memory_space<vmem>>, vector<16xf32>,
    %mul3A_12 = arith.constant 16 : i32
    %mul3A_13 = arith.muli %add3A, %mul3A_12 : i32
    "tpu.region"() ({
      %run_scoped3A = tpu.sem_alloc : memref<!tpu.dma_semaphore, #tpu.memory_space<semaphore_mem>>
      %dma_start3A = tpu.memref_slice %arg8[%mul3A_13] : memref<512xf32, #tpu.memory_space<hbm>> -> memref<16xf32, #tpu.memory_space<hbm>>
      %dma_start3A_14 = tpu.memref_slice %arg8[%mul3A_13] : memref<512xf32, #tpu.memory_space<hbm>> -> memref<16xf32, #tpu.memory_space<hbm>>
      tpu.enqueue_dma source(%arg15 : memref<16xf32, #tpu.memory_space<vmem>>) target(%dma_start3A_14 : memref<16xf32, #tpu.memory_space<hbm>>) target_semaphore(%run_scoped3A : memref<!tpu.dma_semaphore, #tpu.memory_space<semaphore_mem>>)
      %dma_wait3A = tpu.memref_slice %arg8[%mul3A_13] : memref<512xf32, #tpu.memory_space<hbm>> -> memref<16xf32, #tpu.memory_space<hbm>>
      %dma_wait3A_15 = tpu.memref_slice %arg8[%mul3A_13] : memref<512xf32, #tpu.memory_space<hbm>> -> memref<16xf32, #tpu.memory_space<hbm>>
      tpu.wait_dma2 semaphore(%run_scoped3A : memref<!tpu.dma_semaphore, #tpu.memory_space<semaphore_mem>>) src(%arg15 : memref<16xf32, #tpu.memory_space<vmem>>) dst(%dma_wait3A_15 : memref<16xf32, #tpu.memory_space<hbm>>)
      tpu.yield
    }) : () -> ()
    return
  }
}

#map = affine_map<(d0, d1) -> (0)>
module attributes {stable_mosaic.version = 14 : i64} {
  func.func @_finish(%arg0: i32, %arg1: i32, %arg2: memref<512xf32, #tpu.memory_space<hbm>>, %arg3: memref<16384xi32, #tpu.memory_space<hbm>>, %arg4: memref<16384xi32, #tpu.memory_space<hbm>>, %arg5: memref<100000xf32, #tpu.memory_space<hbm>>, %arg6: memref<1000000xf32, #tpu.memory_space<hbm>>, %arg7: memref<16384xf32, #tpu.memory_space<hbm>>, %arg8: memref<512xf32, #tpu.memory_space<vmem>>, %arg9: memref<512xi32, #tpu.memory_space<vmem>>, %arg10: memref<512xi32, #tpu.memory_space<vmem>>, %arg11: memref<512xf32, #tpu.memory_space<vmem>>, %arg12: memref<512xf32, #tpu.memory_space<vmem>>, %arg13: memref<!tpu.dma_semaphore, #tpu.memory_space<semaphore_mem>>, %arg14: memref<!tpu.dma_semaphore, #tpu.memory_space<semaphore_mem>>) attributes {dimension_semantics = [#tpu.dimension_semantics<core_parallel>, #tpu.dimension_semantics<subcore_parallel>], iteration_bounds = array<i64: 2, 16>, scalar_prefetch = 0 : i64, scratch_operands = 7 : i64, tpu.core_type = #tpu.core_type<sc_vector_subcore>, window_params = [{transform_indices = #map}, {transform_indices = #map}, {transform_indices = #map}, {transform_indices = #map}, {transform_indices = #map}, {transform_indices = #map}]} {
    %mul3A = arith.constant 2 : i32
    %mul3A_0 = arith.muli %arg1, %mul3A : i32
    %add3A = arith.addi %mul3A_0, %arg0 : i32
    %mul3A_1 = arith.constant 512 : i32
    %mul3A_2 = arith.muli %add3A, %mul3A_1 : i32
    "tpu.region"() ({
      %run_scoped3A = tpu.sem_alloc : memref<!tpu.dma_semaphore, #tpu.memory_space<semaphore_mem>>
      %dma_start3A_25 = tpu.memref_slice %arg3[%mul3A_2] : memref<16384xi32, #tpu.memory_space<hbm>> -> memref<512xi32, #tpu.memory_space<hbm>>
      %dma_start3A_26 = tpu.memref_slice %arg3[%mul3A_2] : memref<16384xi32, #tpu.memory_space<hbm>> -> memref<512xi32, #tpu.memory_space<hbm>>
      tpu.enqueue_dma source(%dma_start3A_26 : memref<512xi32, #tpu.memory_space<hbm>>) target(%arg9 : memref<512xi32, #tpu.memory_space<vmem>>) target_semaphore(%run_scoped3A : memref<!tpu.dma_semaphore, #tpu.memory_space<semaphore_mem>>)
      %dma_wait3A_27 = tpu.memref_slice %arg3[%mul3A_2] : memref<16384xi32, #tpu.memory_space<hbm>> -> memref<512xi32, #tpu.memory_space<hbm>>
      %dma_wait3A_28 = tpu.memref_slice %arg3[%mul3A_2] : memref<16384xi32, #tpu.memory_space<hbm>> -> memref<512xi32, #tpu.memory_space<hbm>>
      tpu.wait_dma2 semaphore(%run_scoped3A : memref<!tpu.dma_semaphore, #tpu.memory_space<semaphore_mem>>) src(%dma_wait3A_28 : memref<512xi32, #tpu.memory_space<hbm>>) dst(%arg9 : memref<512xi32, #tpu.memory_space<vmem>>)
      tpu.yield
    }) : () -> ()
    "tpu.region"() ({
      %run_scoped3A = tpu.sem_alloc : memref<!tpu.dma_semaphore, #tpu.memory_space<semaphore_mem>>
      %dma_start3A_25 = tpu.memref_slice %arg4[%mul3A_2] : memref<16384xi32, #tpu.memory_space<hbm>> -> memref<512xi32, #tpu.memory_space<hbm>>
      %dma_start3A_26 = tpu.memref_slice %arg4[%mul3A_2] : memref<16384xi32, #tpu.memory_space<hbm>> -> memref<512xi32, #tpu.memory_space<hbm>>
      tpu.enqueue_dma source(%dma_start3A_26 : memref<512xi32, #tpu.memory_space<hbm>>) target(%arg10 : memref<512xi32, #tpu.memory_space<vmem>>) target_semaphore(%run_scoped3A : memref<!tpu.dma_semaphore, #tpu.memory_space<semaphore_mem>>)
      %dma_wait3A_27 = tpu.memref_slice %arg4[%mul3A_2] : memref<16384xi32, #tpu.memory_space<hbm>> -> memref<512xi32, #tpu.memory_space<hbm>>
      %dma_wait3A_28 = tpu.memref_slice %arg4[%mul3A_2] : memref<16384xi32, #tpu.memory_space<hbm>> -> memref<512xi32, #tpu.memory_space<hbm>>
      tpu.wait_dma2 semaphore(%run_scoped3A : memref<!tpu.dma_semaphore, #tpu.memory_space<semaphore_mem>>) src(%dma_wait3A_28 : memref<512xi32, #tpu.memory_space<hbm>>) dst(%arg10 : memref<512xi32, #tpu.memory_space<vmem>>)
      tpu.yield
    }) : () -> ()
    %dma_start3A = arith.constant 0 : i32
    %dma_start3A_3 = tpu.memref_slice %arg5[%dma_start3A] : memref<100000xf32, #tpu.memory_space<hbm>> -> memref<100000xf32, #tpu.memory_space<hbm>>
    tpu.enqueue_indirect_dma source(%dma_start3A_3 : memref<100000xf32, #tpu.memory_space<hbm>>) target(%arg11 : memref<512xf32, #tpu.memory_space<vmem>>) offsets(%arg9 : memref<512xi32, #tpu.memory_space<vmem>>) semaphore(%arg13 : memref<!tpu.dma_semaphore, #tpu.memory_space<semaphore_mem>>)
    %dma_start3A_4 = arith.constant 0 : i32
    %dma_start3A_5 = tpu.memref_slice %arg6[%dma_start3A_4] : memref<1000000xf32, #tpu.memory_space<hbm>> -> memref<1000000xf32, #tpu.memory_space<hbm>>
    tpu.enqueue_indirect_dma source(%dma_start3A_5 : memref<1000000xf32, #tpu.memory_space<hbm>>) target(%arg12 : memref<512xf32, #tpu.memory_space<vmem>>) offsets(%arg10 : memref<512xi32, #tpu.memory_space<vmem>>) semaphore(%arg14 : memref<!tpu.dma_semaphore, #tpu.memory_space<semaphore_mem>>)
    "tpu.region"() ({
      %run_scoped3A = tpu.sem_alloc : memref<!tpu.dma_semaphore, #tpu.memory_space<semaphore_mem>>
      tpu.enqueue_dma source(%arg2 : memref<512xf32, #tpu.memory_space<hbm>>) target(%arg8 : memref<512xf32, #tpu.memory_space<vmem>>) target_semaphore(%run_scoped3A : memref<!tpu.dma_semaphore, #tpu.memory_space<semaphore_mem>>)
      tpu.wait_dma2 semaphore(%run_scoped3A : memref<!tpu.dma_semaphore, #tpu.memory_space<semaphore_mem>>) src(%arg2 : memref<512xf32, #tpu.memory_space<hbm>>) dst(%arg8 : memref<512xf32, #tpu.memory_space<vmem>>)
      tpu.yield
    }) : () -> ()
    %broadcast_in_dim3A = arith.constant 0.000000e+00 : f32
    %broadcast_in_dim3A_6 = vector.broadcast %broadcast_in_dim3A : f32 to vector<16xf32>
    %scan3A = arith.constant 0 : i32
    %scan3A_7 = arith.constant 32 : i32
    %scan3A_8 = arith.addi %scan3A, %scan3A_7 : i32
    %scan3A_9 = arith.constant 1 : i32
    %scan3A_10 = scf.for %scan3A_25 = %scan3A to %scan3A_8 step %scan3A_9 iter_args(%scan3A_26 = %broadcast_in_dim3A_6) -> (vector<16xf32>)  : i32 {
      %mul3A_27 = arith.constant 16 : i32
      %mul3A_28 = arith.muli %scan3A_25, %mul3A_27 : i32
      %get3A = arith.index_cast %mul3A_28 : i32 to index
      %get3A_29 = tpu.vector_load %arg8[%get3A] {strides = array<i32>} : memref<512xf32, #tpu.memory_space<vmem>>, vector<16xf32>,
      %add3A_30 = arith.addf %scan3A_26, %get3A_29 : vector<16xf32>
      scf.yield %add3A_30 : vector<16xf32>
    }
    %scan3A_11 = arith.constant 32 : i32
    %reduce_sum3A = arith.constant true
    %reduce_sum3A_12 = vector.broadcast %reduce_sum3A : i1 to vector<16xi1>
    %reduce_sum3A_13 = tpu.scan <sum>, %scan3A_10 masked %reduce_sum3A_12 : vector<16xf32>, vector<16xi1> -> vector<16xf32>
    %reduce_sum3A_14 = vector.extract %reduce_sum3A_13[15] : f32 from vector<16xf32>
    %dma_wait3A = arith.constant 0 : i32
    %dma_wait3A_15 = tpu.memref_slice %arg5[%dma_wait3A] : memref<100000xf32, #tpu.memory_space<hbm>> -> memref<100000xf32, #tpu.memory_space<hbm>>
    tpu.wait_indirect_dma semaphore(%arg13 : memref<!tpu.dma_semaphore, #tpu.memory_space<semaphore_mem>>) src(%dma_wait3A_15 : memref<100000xf32, #tpu.memory_space<hbm>>) dst(%arg11 : memref<512xf32, #tpu.memory_space<vmem>>)
    %dma_wait3A_16 = arith.constant 0 : i32
    %dma_wait3A_17 = tpu.memref_slice %arg6[%dma_wait3A_16] : memref<1000000xf32, #tpu.memory_space<hbm>> -> memref<1000000xf32, #tpu.memory_space<hbm>>
    tpu.wait_indirect_dma semaphore(%arg14 : memref<!tpu.dma_semaphore, #tpu.memory_space<semaphore_mem>>) src(%dma_wait3A_17 : memref<1000000xf32, #tpu.memory_space<hbm>>) dst(%arg12 : memref<512xf32, #tpu.memory_space<vmem>>)
    %scan3A_18 = arith.constant 0 : i32
    %scan3A_19 = arith.constant 0 : i32
    %scan3A_20 = arith.constant 32 : i32
    %scan3A_21 = arith.addi %scan3A_19, %scan3A_20 : i32
    %scan3A_22 = arith.constant 1 : i32
    %scan3A_23 = scf.for %scan3A_25 = %scan3A_19 to %scan3A_21 step %scan3A_22 iter_args(%scan3A_26 = %scan3A_18) -> (i32)  : i32 {
      %mul3A_27 = arith.constant 16 : i32
      %mul3A_28 = arith.muli %scan3A_25, %mul3A_27 : i32
      %get3A = arith.index_cast %mul3A_28 : i32 to index
      %get3A_29 = tpu.vector_load %arg11[%get3A] {strides = array<i32>} : memref<512xf32, #tpu.memory_space<vmem>>, vector<16xf32>,
      %get3A_30 = arith.index_cast %mul3A_28 : i32 to index
      %get3A_31 = tpu.vector_load %arg12[%get3A_30] {strides = array<i32>} : memref<512xf32, #tpu.memory_space<vmem>>, vector<16xf32>,
      %add3A_32 = arith.addf %get3A_29, %get3A_31 : vector<16xf32>
      %add3A_33 = vector.broadcast %reduce_sum3A_14 : f32 to vector<16xf32>
      %add3A_34 = arith.addf %add3A_32, %add3A_33 : vector<16xf32>
      %neg3A = arith.constant 0.000000e+00 : f32
      %neg3A_35 = vector.broadcast %neg3A : f32 to vector<16xf32>
      %neg3A_36 = arith.subf %neg3A_35, %add3A_34 : vector<16xf32>
      %exp3A = math.exp %neg3A_36 : vector<16xf32>
      %add3A_37 = arith.constant 1.000000e+00 : f32
      %add3A_38 = vector.broadcast %add3A_37 : f32 to vector<16xf32>
      %add3A_39 = arith.addf %add3A_38, %exp3A : vector<16xf32>
      %div3A = arith.constant 1.000000e+00 : f32
      %div3A_40 = vector.broadcast %div3A : f32 to vector<16xf32>
      %div3A_41 = arith.divf %div3A_40, %add3A_39 : vector<16xf32>
      %swap3A = arith.index_cast %mul3A_28 : i32 to index
      %swap3A_42 = tpu.vector_load %arg11[%swap3A] {strides = array<i32>} : memref<512xf32, #tpu.memory_space<vmem>>, vector<16xf32>,
      tpu.vector_store %arg11[%swap3A], %div3A_41 {strides = array<i32>} : memref<512xf32, #tpu.memory_space<vmem>>, vector<16xf32>,
      %scan3A_43 = arith.constant 0 : i32
      scf.yield %scan3A_43 : i32
    }
    %scan3A_24 = arith.constant 32 : i32
    "tpu.region"() ({
      %run_scoped3A = tpu.sem_alloc : memref<!tpu.dma_semaphore, #tpu.memory_space<semaphore_mem>>
      %dma_start3A_25 = tpu.memref_slice %arg7[%mul3A_2] : memref<16384xf32, #tpu.memory_space<hbm>> -> memref<512xf32, #tpu.memory_space<hbm>>
      %dma_start3A_26 = tpu.memref_slice %arg7[%mul3A_2] : memref<16384xf32, #tpu.memory_space<hbm>> -> memref<512xf32, #tpu.memory_space<hbm>>
      tpu.enqueue_dma source(%arg11 : memref<512xf32, #tpu.memory_space<vmem>>) target(%dma_start3A_26 : memref<512xf32, #tpu.memory_space<hbm>>) target_semaphore(%run_scoped3A : memref<!tpu.dma_semaphore, #tpu.memory_space<semaphore_mem>>)
      %dma_wait3A_27 = tpu.memref_slice %arg7[%mul3A_2] : memref<16384xf32, #tpu.memory_space<hbm>> -> memref<512xf32, #tpu.memory_space<hbm>>
      %dma_wait3A_28 = tpu.memref_slice %arg7[%mul3A_2] : memref<16384xf32, #tpu.memory_space<hbm>> -> memref<512xf32, #tpu.memory_space<hbm>>
      tpu.wait_dma2 semaphore(%run_scoped3A : memref<!tpu.dma_semaphore, #tpu.memory_space<semaphore_mem>>) src(%arg11 : memref<512xf32, #tpu.memory_space<vmem>>) dst(%dma_wait3A_28 : memref<512xf32, #tpu.memory_space<hbm>>)
      tpu.yield
    }) : () -> ()
    return
  }
}

module attributes {stable_mosaic.version = 14 : i64} {
  func.func @body(%arg0: i32, %arg1: memref<64x2048xf32, #tpu.memory_space<vmem>>, %arg2: memref<1024x128xf32, #tpu.memory_space<vmem>>) attributes {dimension_semantics = [#tpu.dimension_semantics<arbitrary>], iteration_bounds = array<i64: 49>, scalar_prefetch = 0 : i64, scratch_operands = 0 : i64, tpu.core_type = #tpu.core_type<tc>, window_params = [{transform_indices = @transform_0, window_bounds = array<i64: 64, 2048>}, {transform_indices = @transform_1, window_bounds = array<i64: 1024, 128>}]} {
    %get3A = arith.constant 0 : index
    %get3A_0 = arith.constant 0 : index
    %get3A_1 = vector.load %arg1[%get3A, %get3A_0] : memref<64x2048xf32, #tpu.memory_space<vmem>>, vector<64x2048xf32>
    %slice3A = vector.extract_strided_slice %get3A_1 {offsets = [0, 0], sizes = [64, 1024], strides = [1, 1]} : vector<64x2048xf32> to vector<64x1024xf32>
    %transpose3A = tpu.transpose %slice3A, [1, 0] : vector<64x1024xf32> -> vector<1024x64xf32>
    %slice3A_2 = vector.extract_strided_slice %get3A_1 {offsets = [0, 1024], sizes = [64, 1024], strides = [1, 1]} : vector<64x2048xf32> to vector<64x1024xf32>
    %transpose3A_3 = tpu.transpose %slice3A_2, [1, 0] : vector<64x1024xf32> -> vector<1024x64xf32>
    %concatenate3A = tpu.concatenate %transpose3A, %transpose3A_3 in 1 : vector<1024x64xf32>, vector<1024x64xf32> -> vector<1024x128xf32>
    %swap3A = arith.constant 0 : index
    %swap3A_4 = arith.constant 0 : index
    %swap3A_5 = vector.load %arg2[%swap3A, %swap3A_4] : memref<1024x128xf32, #tpu.memory_space<vmem>>, vector<1024x128xf32>
    tpu.vector_store %arg2[%swap3A, %swap3A_4], %concatenate3A {strides = array<i32>} : memref<1024x128xf32, #tpu.memory_space<vmem>>, vector<1024x128xf32>,
    return
  }
  func.func @transform_0(%arg0: i32) -> (i32, i32) {
    %c0_i32 = arith.constant 0 : i32
    %c0_i32_0 = arith.constant 0 : i32
    return %c0_i32, %arg0 : i32, i32
  }
  func.func @transform_1(%arg0: i32) -> (i32, i32) {
    %c0_i32 = arith.constant 0 : i32
    %c0_i32_0 = arith.constant 0 : i32
    return %arg0, %c0_i32 : i32, i32
  }
}

module attributes {stable_mosaic.version = 14 : i64} {
  func.func @body(%arg0: i32, %arg1: memref<64x2048xf32, #tpu.memory_space<vmem>>, %arg2: memref<1024x128xf32, #tpu.memory_space<vmem>>) attributes {dimension_semantics = [#tpu.dimension_semantics<arbitrary>], iteration_bounds = array<i64: 489>, scalar_prefetch = 0 : i64, scratch_operands = 0 : i64, tpu.core_type = #tpu.core_type<tc>, window_params = [{transform_indices = @transform_0, window_bounds = array<i64: 64, 2048>}, {transform_indices = @transform_1, window_bounds = array<i64: 1024, 128>}]} {
    %get3A = arith.constant 0 : index
    %get3A_0 = arith.constant 0 : index
    %get3A_1 = vector.load %arg1[%get3A, %get3A_0] : memref<64x2048xf32, #tpu.memory_space<vmem>>, vector<64x2048xf32>
    %slice3A = vector.extract_strided_slice %get3A_1 {offsets = [0, 0], sizes = [64, 1024], strides = [1, 1]} : vector<64x2048xf32> to vector<64x1024xf32>
    %transpose3A = tpu.transpose %slice3A, [1, 0] : vector<64x1024xf32> -> vector<1024x64xf32>
    %slice3A_2 = vector.extract_strided_slice %get3A_1 {offsets = [0, 1024], sizes = [64, 1024], strides = [1, 1]} : vector<64x2048xf32> to vector<64x1024xf32>
    %transpose3A_3 = tpu.transpose %slice3A_2, [1, 0] : vector<64x1024xf32> -> vector<1024x64xf32>
    %concatenate3A = tpu.concatenate %transpose3A, %transpose3A_3 in 1 : vector<1024x64xf32>, vector<1024x64xf32> -> vector<1024x128xf32>
    %swap3A = arith.constant 0 : index
    %swap3A_4 = arith.constant 0 : index
    %swap3A_5 = vector.load %arg2[%swap3A, %swap3A_4] : memref<1024x128xf32, #tpu.memory_space<vmem>>, vector<1024x128xf32>
    tpu.vector_store %arg2[%swap3A, %swap3A_4], %concatenate3A {strides = array<i32>} : memref<1024x128xf32, #tpu.memory_space<vmem>>, vector<1024x128xf32>,
    return
  }
  func.func @transform_0(%arg0: i32) -> (i32, i32) {
    %c0_i32 = arith.constant 0 : i32
    %c0_i32_0 = arith.constant 0 : i32
    return %c0_i32, %arg0 : i32, i32
  }
  func.func @transform_1(%arg0: i32) -> (i32, i32) {
    %c0_i32 = arith.constant 0 : i32
    %c0_i32_0 = arith.constant 0 : i32
    return %arg0, %c0_i32 : i32, i32
  }
}

</mosaic_0001>

<sc_bundles>
// kernel: kernel.6.cloned.1.call-start
scs
__scs_entry_jumppad:
0x0: {  	(pc) =	sbr.rel $0x88, $3  }
0x1: {  	(tag) =	ssettag $0x0;
	lr =	simm.s32 $0x1  }
0x2: {  	[smem:$0x3F9C] =	sst lr;
	_ =	strace $0xD0000000  }
0x3: {  	_ = 	snop  }
0x4: {  	_ = 	snop  }
0x5: {  	_ = 	snop  }
0x6: {  	_ = 	snop  }
0x7: {  	_ = 	snop  }
__scs_overlays_trampoline_lowered:
0x8: {  	[smem:$0x3FAB] =	sst s0  }
0x9: {  	[smem:$0x3FAC] =	sst s1  }
0xa: {  	[smem:$0x3FAD] =	sst s2  }
0xb: {  	[smem:$0x3FAE] =	sst s3  }
0xc: {  	[smem:$0x3FAF] =	sst s4  }
0xd: {  	[smem:$0x3FB0] =	sst s5  }
0xe: {  	[smem:$0x3FB1] =	sst s6  }
0xf: {  	[smem:$0x3FB2] =	sst s7  }
0x10: {  	[smem:$0x3FB3] =	sst s8  }
0x11: {  	[smem:$0x3FB4] =	sst s9;
	s0 =	simm.s32 @!p0 $0x0  }
0x12: {  	s1 =	sld [smem:$0x3F9A];
	s0 =	simm.s32 @p0 $0x1  }
0x13: {  	[smem:$0x3FB5] =	sst s0;
	s0 =	simm.s32 @!p1 $0x0  }
0x14: {  	s2 =	sld [smem:$0x3F99];
	s0 =	simm.s32 @p1 $0x1  }
0x15: {  	[smem:$0x3FB6] =	sst s0;
	s0 =	simm.s32 @!p2 $0x0  }
0x16: {  	s3 =	sld [smem:$0x3FDB];
	s0 =	simm.s32 @p2 $0x1  }
0x17: {  	s4 =	simm.s32 $0x1BF5;
	[smem:$0x3FB8] =	sst s0  }
0x18: {  	s0 =	sld [smem:$0x3F9B];
	_ =	swait.ge [sflag:s4], $0x0  }
0x19: {  	s7 =	sld [smem:$0x3F9C]  }
0x1a: {  	s8 =	sadd.s32 $0xFFFFE003, lr  }
0x1b: {  	s9 =	sadd.s32 $0xFFFFFEF7, lr;
	s5 =	simm.s32 $0xFFFFFFFF;
	p2 =	slt.u32 s8, $0xFFFFF086  }
0x1c: {  	p1 =	slt.u32 s9, $0xF7A;
	s5 =	simm.s32 @!p2 $0x0  }
0x1d: {  	s5 =	simm.s32 @p1 $0x1;
	p0 =	seq.s32 s7, s2  }
0x1e: {  	s7 =	smul.u32 @!p0 $0xF7A, s2;
	p2 =	seq.s32 @!p0 s5, $0x0  }
0x1f: {  	s9 =	smul.u32 $0xF7A, s1;
	s8 =	simm.s32 @!p0 $0x1BF5;
	p2 =	por !p2, p0  }
0x20: {  	[sflag:s8] =	ssyncset.s32 @!p0 $0xFFFFF086;
	s6 =	sadd.s32 @!p0 s3, s7;
	s7 =	simm.s32 @!p0 $0x108  }
0x21: {  	s3 =	sadd.s32 s3, s9;
	s6 =	sadd.s32 @!p0 $0x88, s6;
	s7 =	simm.s32 @p2 $0x1082  }
0x22: {  	[simem:s7], [sflag:s8] =	dma.local @!p0 [hbm:s6], $0xF7A  }
0x23: {  	s9 =	sor.u32 $0xD0000000, s2;
	s6 =	simm.s32 $0x108;
	_ =	swait.ge @!p0 [sflag:s8], $0x0  }
0x24: {  	s3 =	sadd.s32 $0x88, s3;
	s6 =	simm.s32 @!p1 $0x1082;
	[sflag:s4] =	ssyncset.s32 $0xFFFFF086  }
0x25: {  	[simem:s6], [sflag:s4] =	dma.local [hbm:s3], $0xF7A  }
0x26: {  	[smem:$0x3F9C] =	sst s1;
	(tag) =	ssettag s2;
	_ =	strace s9  }
0x27: {  	s1 =	sld [smem:$0x3FAC]  }
0x28: {  	s2 =	sld [smem:$0x3FAD]  }
0x29: {  	s4 =	sld [smem:$0x3FAF]  }
0x2a: {  	p0 =	seq.s32 s5, $0x0;
	s5 =	sld [smem:$0x3FB0]  }
0x2b: {  	s6 =	sld [smem:$0x3FB1]  }
0x2c: {  	s7 =	sld [smem:$0x3FB2]  }
0x2d: {  	s3 =	simm.s32 $0x108;
	s8 =	sld [smem:$0x3FB3]  }
0x2e: {  	s3 =	simm.s32 @!p0 $0x1082;
	s9 =	sld [smem:$0x3FB4]  }
0x2f: {  	lr =	sadd.s32 s0, s3;
	s0 =	sld [smem:$0x3FAB]  }
0x30: {  	s3 =	sld [smem:$0x3FAE]  }
0x31: {  	[smem:$0x3FB7] =	sst s10  }
0x32: {  	s10 =	sld [smem:$0x3FB5];
	_ =	sdelay $0x3  }
0x33: {  	p0 =	seq.s32 s10, $0x1;
	s10 =	sld [smem:$0x3FB7];
	_ =	sdelay $0x3  }
0x34: {  	[smem:$0x3FB7] =	sst s10  }
0x35: {  	s10 =	sld [smem:$0x3FB6];
	_ =	sdelay $0x3  }
0x36: {  	p1 =	seq.s32 s10, $0x1;
	s10 =	sld [smem:$0x3FB7];
	_ =	sdelay $0x3  }
0x37: {  	[smem:$0x3FB7] =	sst s10  }
0x38: {  	s10 =	sld [smem:$0x3FB8]  }
0x39: {  	_ = 	snop;
	(pc) =	sbr.ind lr, $3  }
0x3a: {  	_ = 	snop  }
0x3b: {  	_ = 	snop  }
0x3c: {  	p2 =	seq.s32 s10, $0x1;
	s10 =	sld [smem:$0x3FB7]  }
0x3d: {  	_ =	shalt  }
0x3e: {  	_ =	shalt  }
0x3f: {  	_ =	shalt  }
0x40: {  	_ =	shalt  }
0x41: {  	_ =	shalt  }
0x42: {  	_ =	shalt  }
0x43: {  	_ =	shalt  }
0x44: {  	_ =	shalt  }
0x45: {  	_ =	shalt  }
0x46: {  	_ =	shalt  }
0x47: {  	_ =	shalt  }
0x48: {  	_ =	shalt  }
0x49: {  	_ =	shalt  }
0x4a: {  	_ =	shalt  }
0x4b: {  	_ =	shalt  }
0x4c: {  	_ =	shalt  }
0x4d: {  	_ =	shalt  }
0x4e: {  	_ =	shalt  }
0x4f: {  	_ =	shalt  }
0x50: {  	_ =	shalt  }
0x51: {  	_ =	shalt  }
0x52: {  	_ =	shalt  }
0x53: {  	_ =	shalt  }
0x54: {  	_ =	shalt  }
0x55: {  	_ =	shalt  }
0x56: {  	_ =	shalt  }
0x57: {  	_ =	shalt  }
0x58: {  	_ =	shalt  }
0x59: {  	_ =	shalt  }
0x5a: {  	_ =	shalt  }
0x5b: {  	_ =	shalt  }
0x5c: {  	_ =	shalt  }
0x5d: {  	_ =	shalt  }
0x5e: {  	_ =	shalt  }
0x5f: {  	_ =	shalt  }
0x60: {  	_ =	shalt  }
0x61: {  	_ =	shalt  }
0x62: {  	_ =	shalt  }
0x63: {  	_ =	shalt  }
0x64: {  	_ =	shalt  }
0x65: {  	_ =	shalt  }
0x66: {  	_ =	shalt  }
0x67: {  	_ =	shalt  }
0x68: {  	_ =	shalt  }
0x69: {  	_ =	shalt  }
0x6a: {  	_ =	shalt  }
0x6b: {  	_ =	shalt  }
0x6c: {  	_ =	shalt  }
0x6d: {  	_ =	shalt  }
0x6e: {  	_ =	shalt  }
0x6f: {  	_ =	shalt  }
0x70: {  	_ =	shalt  }
0x71: {  	_ =	shalt  }
0x72: {  	_ =	shalt  }
0x73: {  	_ =	shalt  }
0x74: {  	_ =	shalt  }
0x75: {  	_ =	shalt  }
0x76: {  	_ =	shalt  }
0x77: {  	_ =	shalt  }
0x78: {  	_ =	shalt  }
0x79: {  	_ =	shalt  }
0x7a: {  	_ =	shalt  }
0x7b: {  	_ =	shalt  }
0x7c: {  	_ =	shalt  }
0x7d: {  	_ =	shalt  }
0x7e: {  	_ =	shalt  }
0x7f: {  	_ =	shalt  }
0x80: {  	_ =	shalt  }
0x81: {  	_ =	shalt  }
0x82: {  	_ =	shalt  }
0x83: {  	_ =	shalt  }
0x84: {  	_ =	shalt  }
0x85: {  	_ =	shalt  }
0x86: {  	_ =	shalt  }
0x87: {  	_ =	shalt  }
.Lfunc_end0:
.L_simem_size_0:
called_computation_lowered:
.L_overlay_start_0:
0x88: {  	s2 =	sld [smem:$0x3FD9]  }
0x89: {  	s3 =	sld [smem:$0x3FFE];
	_ =	sdelay $0x1  }
0x8a: {  	s1 =	srdreg.scid  }
0x8b: {  	s0 =	sand.u32 $0x1, s1  }
0x8c: {  	s17 =	sshll.u32 s0, $0xA;
	s2 =	sadd.s32 s3, s2  }
0x8d: {  	s2 =	sadd.s32 s2, s17  }
0x8e: {  	[smem:$0x3FC3] =	sst s2  }
0x8f: {  	_ = 	snop  }
0x90: {  	s2 =	sld [smem:$0x3FD0];
	(tm) =	ssettm $0x1  }
0x91: {  	s18 =	sld [smem:$0x3FFB];
	_ =	sdelay $0x3  }
0x92: {  	_ =	strace s18  }
0x93: {  	s3 =	sld [smem:$0x3FFC];
	_ =	sdelay $0x3  }
0x94: {  	_ =	strace s3  }
0x95: {  	s3 =	sld [smem:$0x3FFD];
	_ =	sdelay $0x3  }
0x96: {  	_ =	strace s3  }
0x97: {  	_ =	strace $0x8FFFFFFF  }
0x98: {  	s19 =	sld [smem:$0x3FDB];
	_ =	sdelay $0x1  }
0x99: {  	s4 =	simm.s32 $_scs_section_size  }
0x9a: {  	s5 =	simm.s32 $_size__tile_overlayer_lowered;
	s6 =	simm.s32 $_tile_overlayer_lowered  }
0x9b: {  	s22 =	simm.s32 $0x1BFF;
	s21 =	sshll.u32 s6, $0x1;
	s3 =	sadd.s32 s4, s19  }
0x9c: {  	s7 =	simm.s32 $0x0;
	s20 =	sshll.u32 s5, $0x1;
	s5 =	sadd.s32 s21, s3  }
0x9d: {  	[timem:s7], [sflag:s22] =	dma.local [hbm:s5], s20  }
0x9e: {  	_ =	swait.ge [sflag:s22], s20  }
0x9f: {  	s4 =	ssub.s32 $0x0, s20;
	[sflag:s22] =	ssyncset.done $0x0  }
0xa0: {  	[sflag:s22] =	ssyncadd.s32 s4;
	_ =	sdelay $0x1  }
0xa1: {  	s23 =	simm.s32 $0x1B8B  }
0xa2: {  	_ =	swait.ge [sflag:s23], $0x1  }
0xa3: {  	[sflag:s23] =	ssyncset.done $0x0  }
0xa4: {  	s25 =	simm.s32 $0x1B8E;
	s24 =	sld [smem:$0x3FFE];
	[sflag:s23] =	ssyncadd.s32 $0xFFFFFFFF  }
0xa5: {  	s26 =	simm.s32 $execute0_lowered;
	[smem:$0x3FD2] =	sst s25  }
0xa6: {  	s5 =	sshll.u32 s26, $0x1;
	_ =	strace $0x80000046;
	[dreg:$0x1] =	wrdreg $0xFFFFFFFF  }
0xa7: {  	s28 =	simm.s32 $_size_execute0_lowered;
	s3 =	sadd.s32 s3, s5;
	[dreg:$0x0] =	wrdreg $0x0  }
0xa8: {  	s5 =	sshll.u32 s28, $0x1;
	[dreg:$0x2] =	wrdreg s3  }
0xa9: {  	[dreg:$0x3] =	wrdreg s5  }
0xaa: {  	[dreg:$0x4] =	wrdreg $0xC0  }
0xab: {  	_ =	task [dreg:s7], $0x5FFFF  }
0xac: {  	[dreg:$0x1] =	wrdreg $0xFFFFFFFF  }
0xad: {  	[dreg:$0x0] =	wrdreg $0x60  }
0xae: {  	[dreg:$0x2] =	wrdreg s24  }
0xaf: {  	[dreg:$0x3] =	wrdreg s2  }
0xb0: {  	[dreg:$0x4] =	wrdreg $0x9  }
0xb1: {  	_ =	task.clear_ibuf [dreg:s7], $0x5FFFF;
	_ =	strace $0x90000046  }
0xb2: {  	s29 =	simm.s32 $0x9;
	_ =	strace $0x80000048  }
0xb3: {  	_ =	swait.ge [sflag:s29], $0x1  }
0xb4: {  	[sflag:s29] =	ssyncadd.s32 $0xFFFFFFFF  }
0xb5: {  	_ =	strace $0x90000048  }
0xb6: {  	_ =	sfence  }
0xb7: {  	s30 =	sld [smem:$0x0];
	_ =	sdelay $0x2  }
0xb8: {  	s31 =	sshll.u32 s1, $0xD;
	s1 =	sshrl.u32 s1, $0x2  }
0xb9: {  	s3 =	sand.u32 $0x4000, s31;
	s1 =	sadd.s32 s1, s30  }
0xba: {  	s0 =	sor.u32 s3, s0;
	s1 =	sshll.u32 s1, $0x11  }
0xbb: {  	s0 =	sor.u32 s1, s0  }
0xbc: {  	s0 =	sadd.s32 $0x8F2B, s0  }
0xbd: {  	[sflag:s0] =	ssyncadd.remote.s32 $0x1  }
0xbe: {  	_ =	sfence.sel $0xFFFF  }
0xbf: {  	[dreg:$0x0] =	wrdreg $0xFFFFFFFF;
	(pc) =	sbr.abs _section_cstart, $3  }
0xc0: {  	[dreg:$0x1] =	wrdreg $0xFFFFFFFF  }
0xc1: {  	_ =	task.clear_ibuf [dreg:s7], $0x2FFFF;
	_ =	strace $0x9FFFFFFF  }
0xc2: {  	(tm) =	ssettm $0x7FFFFFFF  }
0xc3: {  	_ =	shalt  }
tec
execute0_lowered:
.L_overlay_start_1:
0x0: {  	(tag) =	ssettag $0x1  }
0x1: {  	s0 =	rddreg [dreg:$0x0]  }
0x2: {  	s1 =	srdreg.scid;
	s3 =	stileid.u32  }
0x3: {  	s2 =	rddreg [dreg:$0x1];
	s6 =	simm.s32 $0x0;
	s1 =	sand.u32 $0x1, s1  }
0x4: {  	s3 =	sshll.u32 s3, $0x1;
	[smem:$0x7FF] =	sst s6;
	s7 =	sadd.s32 $0x7A5A00, s0  }
0x5: {  	s25 =	sadd.s32 $0x1A00, s0;
	s3 =	sor.u32 s1, s3;
	_ =	strace $0x80000047  }
0x6: {  	[dreg:$0x3] =	wrdreg s7;
	s1 =	ssub.s32 $0x2, s1;
	s4 =	sshll.u32 s3, $0x6  }
0x7: {  	[dreg:$0x4] =	wrdreg s25;
	s5 =	sadd.s32 s4, s0;
	s2 =	sadd.s32 s2, s4  }
0x8: {  	s3 =	sshll.u32 s3, $0x1;
	s28 =	sadd.s32 $0x86A200, s5;
	[dreg:$0x8] =	wrdreg s2  }
0x9: {  	s26 =	sshrl.u32 s1, $0x1;
	s29 =	sadd.s32 $0x869A00, s5;
	[dreg:$0x5] =	wrdreg s28  }
0xa: {  	s0 =	sadd.s32 s3, s0;
	s30 =	sadd.s32 $0x86AA00, s5;
	[dreg:$0x6] =	wrdreg s29  }
0xb: {  	s1 =	ssub.s32 s1, s26;
	s0 =	sadd.s32 $0x86B200, s0;
	[dreg:$0x7] =	wrdreg s30  }
0xc: {  	s31 =	smax.u32 s1, $0x1;
	[dreg:$0x9] =	wrdreg s0  }
0xd: {  	s1 =	simm.s32 $0x3;
	s2 =	simm.s32 $0x0;
	[dreg:$0xa] =	wrdreg s31  }
.LBB2_1:
0xe: {  	[dreg:$0xb] =	wrdreg s2  }
0xf: {  	s0 =	rddreg [dreg:$0x5]  }
0x10: {  	[tilespmem:s6], [sflag:$0x3] =	stream.linear.gather [hbm4b:s0+s6], $0x200, $0x38;
	[tilespmem:$0x10880] =	vst v63  }
0x11: {  	_ =	swait.ge [sflag:s1], $0x200  }
0x12: {  	[sflag:s1] =	ssyncset.done $0x0  }
0x13: {  	s26 =	simm.s32 $0x200;
	s25 =	rddreg [dreg:$0x6];
	[sflag:s1] =	ssyncadd.s32 $0xFFFFFE00  }
0x14: {  	[tilespmem:s26], [sflag:$0x3] =	stream.linear.gather [hbm4b:s25+s6], $0x200, $0x38;
	[tilespmem:$0x10880] =	vst v63  }
0x15: {  	_ =	swait.ge [sflag:s1], $0x200  }
0x16: {  	[sflag:s1] =	ssyncset.done $0x0  }
0x17: {  	s29 =	simm.s32 $0x400;
	s28 =	rddreg [dreg:$0x7];
	[sflag:s1] =	ssyncadd.s32 $0xFFFFFE00  }
0x18: {  	[tilespmem:s29], [sflag:$0x3] =	stream.linear.gather [hbm4b:s28+s6], $0x200, $0x38;
	[tilespmem:$0x10880] =	vst v63  }
0x19: {  	_ =	swait.ge [sflag:s1], $0x200  }
0x1a: {  	[sflag:s1] =	ssyncset.done $0x0  }
0x1b: {  	s31 =	simm.s32 $0x600;
	s30 =	rddreg [dreg:$0x8];
	[sflag:s1] =	ssyncadd.s32 $0xFFFFFE00  }
0x1c: {  	[tilespmem:s31], [sflag:$0x3] =	stream.linear.gather [hbm4b:s30+s6], $0x200, $0x38;
	[tilespmem:$0x10880] =	vst v63  }
0x1d: {  	_ =	swait.ge [sflag:s1], $0x200  }
0x1e: {  	[sflag:s1] =	ssyncset.done $0x0  }
0x1f: {  	p1 =	por $0x1, $0x1;
	v2 =	vimm.f32 $0.0e+00;
	s0 =	simm.s32 $0x0;
	[sflag:s1] =	ssyncadd.s32 $0xFFFFFE00  }
.LBB2_2:
0x20: {  	s1 =	rddreg [dreg:$0x3]  }
0x21: {  	s3 =	simm.s32 $0x100;
	s2 =	simm.s32 $0x800;
	s26 =	sadd.s32 $0x200, s0  }
0x22: {  	[tilespmem:s2], [sflag:$0x1] =	stream.indirect.gather [hbm4b:s1+s3], $0x80, s0, s3, $0xb8;
	[tilespmem:$0x10880] =	vst v63  }
0x23: {  	s28 =	rddreg [dreg:$0x4];
	s4 =	simm.s32 $0x8800;
	s29 =	simm.s32 $0x1  }
0x24: {  	[tilespmem:s4], [sflag:$0x2] =	stream.indirect.gather [hbm4b:s28+s3], $0x80, s26, s3, $0xb8;
	[tilespmem:$0x10880] =	vst v63  }
0x25: {  	_ =	swait.ge [sflag:s29], $0x8000  }
0x26: {  	[sflag:s29] =	ssyncset.done $0x0  }
0x27: {  	s30 =	simm.s32 $0x2;
	[sflag:s29] =	ssyncadd.s32 $0xFFFF8000  }
0x28: {  	s31 =	sshll.u32 s0, $0x2;
	p0 =	por p1, p1;
	_ =	swait.ge [sflag:s30], $0x8000  }
0x29: {  	s24 =	simm.s32 $0x0;
	s0 =	sshra.s32 s31, $0x2;
	[sflag:s30] =	ssyncset.done $0x0  }
0x2a: {  	s1 =	sadd.s32 $0x400, s0;
	s0 =	sadd.s32 $0x600, s0;
	[sflag:s30] =	ssyncadd.s32 $0xFFFF8000  }
.LBB2_3:
0x2b: {  	v1 =	vld [tilespmem:s1+$0x0];
	_ =	sdelay $0x1  }
0x2c: {  	v0 =	vld [tilespmem:s0+$0x0];
	_ =	sdelay $0x2  }
0x2d: {  	(v2sf) =	vpush v1, $0x0;
	_ =	sdelay $0x1  }
0x2e: {  	(v2sf) =	vpush v0, $0x0;
	_ =	sdelay $0xc  }
0x2f: {  	[dreg:$0xd] =	wrdreg s0;
	s17 =	spop (v2sf)  }
0x30: {  	[dreg:$0xc] =	wrdreg s1;
	(v2sf) =	vpush v1, $0x1;
	s18 =	sand.u32 $0x7F, s17;
	s2 =	sshll.u32 s17, $0x2  }
0x31: {  	s3 =	spop (v2sf);
	s4 =	sadd.s32 $0x10, s17;
	s23 =	sadd.s32 $0x20, s17  }
0x32: {  	(v2sf) =	vpush v0, $0x1;
	s0 =	sadd.s32 $0x30, s17;
	s2 =	sand.u32 $0xFFFFFE00, s2;
	s1 =	sshll.u32 s18, $0x2  }
0x33: {  	s19 =	sshll.u32 s3, $0x2;
	s20 =	sand.u32 $0x7F, s3;
	s5 =	sand.u32 $0x7F, s4  }
0x34: {  	s4 =	sshll.u32 s4, $0x2;
	s6 =	sadd.s32 $0x10, s3;
	s26 =	sand.u32 $0x7F, s23  }
0x35: {  	s28 =	sadd.s32 $0x20, s3;
	s31 =	sand.u32 $0x7F, s0;
	s0 =	sshll.u32 s0, $0x2  }
0x36: {  	s3 =	sadd.s32 $0x30, s3;
	s25 =	sor.u32 s1, s2;
	s1 =	sand.u32 $0xFFFFFE00, s19  }
0x37: {  	s2 =	sshll.u32 s20, $0x2;
	s4 =	sand.u32 $0xFFFFFE00, s4;
	s5 =	sshll.u32 s5, $0x2  }
0x38: {  	s21 =	sshll.u32 s6, $0x2;
	s22 =	sand.u32 $0x7F, s6;
	s29 =	sshll.u32 s28, $0x2  }
0x39: {  	s30 =	sand.u32 $0x7F, s28;
	s0 =	sand.u32 $0xFFFFFE00, s0;
	s11 =	sor.u32 s2, s1  }
0x3a: {  	s12 =	sor.u32 s5, s4;
	s1 =	sand.u32 $0xFFFFFE00, s21;
	s4 =	sshll.u32 s23, $0x2  }
0x3b: {  	s2 =	sshll.u32 s22, $0x2;
	s5 =	sshll.u32 s26, $0x2;
	s4 =	sand.u32 $0xFFFFFE00, s4  }
0x3c: {  	s15 =	sor.u32 s2, s1;
	s1 =	sand.u32 $0xFFFFFE00, s29;
	s2 =	sshll.u32 s30, $0x2  }
0x3d: {  	s13 =	sor.u32 s5, s4;
	s4 =	sshll.u32 s31, $0x2;
	s16 =	sor.u32 s2, s1  }
0x3e: {  	s2 =	sshll.u32 s3, $0x2;
	s14 =	sor.u32 s4, s0;
	s4 =	sand.u32 $0x7F, s3  }
0x3f: {  	s0 =	sand.u32 $0xFFFFFE00, s2;
	s1 =	sshll.u32 s4, $0x2;
	s5 =	spop (v2sf)  }
0x40: {  	s17 =	sor.u32 s1, s0;
	(v2sf) =	vpush v1, $0x2;
	s29 =	sand.u32 $0x7F, s5;
	s30 =	sshll.u32 s5, $0x2  }
0x41: {  	s31 =	spop (v2sf);
	s7 =	sadd.s32 $0x10, s5;
	s22 =	sadd.s32 $0x20, s5  }
0x42: {  	(v2sf) =	vpush v0, $0x2;
	s2 =	sadd.s32 $0x30, s5;
	s4 =	sand.u32 $0xFFFFFE00, s30;
	s3 =	sshll.u32 s29, $0x2  }
0x43: {  	s6 =	sand.u32 $0x7F, s31;
	s8 =	sand.u32 $0x7F, s7;
	s9 =	sadd.s32 $0x10, s31  }
0x44: {  	s23 =	sand.u32 $0x7F, s22;
	s26 =	sadd.s32 $0x20, s31;
	s30 =	sand.u32 $0x7F, s2  }
0x45: {  	s2 =	sshll.u32 s2, $0x2;
	s18 =	sor.u32 s3, s4;
	s4 =	sshll.u32 s31, $0x2  }
0x46: {  	s1 =	sshll.u32 s6, $0x2;
	s3 =	sshll.u32 s7, $0x2;
	s10 =	sshll.u32 s9, $0x2  }
0x47: {  	s19 =	sand.u32 $0x7F, s9;
	s28 =	sshll.u32 s26, $0x2;
	s29 =	sand.u32 $0x7F, s26  }
0x48: {  	s2 =	sand.u32 $0xFFFFFE00, s2;
	s31 =	sadd.s32 $0x30, s31;
	s0 =	sand.u32 $0xFFFFFE00, s4  }
0x49: {  	s3 =	sand.u32 $0xFFFFFE00, s3;
	s4 =	sshll.u32 s8, $0x2;
	s5 =	sand.u32 $0x7F, s31  }
0x4a: {  	s21 =	sor.u32 s1, s0;
	s20 =	sor.u32 s4, s3;
	s0 =	sand.u32 $0xFFFFFE00, s10  }
0x4b: {  	s1 =	sshll.u32 s19, $0x2;
	s3 =	sshll.u32 s22, $0x2;
	s4 =	sshll.u32 s23, $0x2  }
0x4c: {  	s3 =	sand.u32 $0xFFFFFE00, s3;
	s22 =	sor.u32 s1, s0;
	s0 =	sand.u32 $0xFFFFFE00, s28  }
0x4d: {  	s1 =	sshll.u32 s29, $0x2;
	s19 =	sor.u32 s4, s3;
	s3 =	sshll.u32 s30, $0x2  }
0x4e: {  	s23 =	sor.u32 s1, s0;
	s26 =	sor.u32 s3, s2;
	s3 =	sshll.u32 s31, $0x2  }
0x4f: {  	s1 =	sshll.u32 s5, $0x2;
	s0 =	sand.u32 $0xFFFFFE00, s3;
	s2 =	spop (v2sf)  }
0x50: {  	s30 =	sor.u32 s1, s0;
	s6 =	sand.u32 $0x7F, s2;
	s7 =	sshll.u32 s2, $0x2  }
0x51: {  	s5 =	spop (v2sf);
	s10 =	sadd.s32 $0x10, s2;
	s4 =	sand.u32 $0xFFFFFE00, s7  }
0x52: {  	s3 =	sshll.u32 s6, $0x2;
	s8 =	sshll.u32 s5, $0x2;
	s9 =	sand.u32 $0x7F, s5  }
0x53: {  	(v2sf) =	vpush v1, $0x3;
	s28 =	sand.u32 $0x7F, s10;
	s31 =	sadd.s32 $0x10, s5;
	s29 =	sor.u32 s3, s4  }
0x54: {  	s0 =	sand.u32 $0xFFFFFE00, s8;
	s1 =	sshll.u32 s9, $0x2;
	s3 =	sshll.u32 s10, $0x2  }
0x55: {  	(v2sf) =	vpush v0, $0x3;
	s4 =	sshll.u32 s28, $0x2;
	s7 =	sshll.u32 s31, $0x2;
	s8 =	sand.u32 $0x7F, s31  }
0x56: {  	s9 =	sadd.s32 $0x20, s2;
	s31 =	sadd.s32 $0x20, s5;
	s2 =	sadd.s32 $0x30, s2  }
0x57: {  	s3 =	sand.u32 $0xFFFFFE00, s3;
	s0 =	sor.u32 s1, s0;
	s1 =	sshll.u32 s8, $0x2  }
0x58: {  	s10 =	sand.u32 $0x7F, s9;
	s6 =	sand.u32 $0x7F, s2;
	s2 =	sshll.u32 s2, $0x2  }
0x59: {  	[dreg:$0xe] =	wrdreg s0;
	s28 =	sor.u32 s4, s3;
	s0 =	sand.u32 $0xFFFFFE00, s7  }
0x5a: {  	s3 =	sshll.u32 s9, $0x2;
	s4 =	sshll.u32 s10, $0x2;
	s2 =	sand.u32 $0xFFFFFE00, s2  }
0x5b: {  	s7 =	sadd.s32 $0x30, s5;
	s3 =	sand.u32 $0xFFFFFE00, s3;
	s0 =	sor.u32 s1, s0  }
0x5c: {  	s9 =	sshll.u32 s7, $0x2;
	[dreg:$0xf] =	wrdreg s0;
	s1 =	sor.u32 s4, s3  }
0x5d: {  	s3 =	sshll.u32 s31, $0x2;
	s4 =	sand.u32 $0x7F, s31;
	[dreg:$0x10] =	wrdreg s1  }
0x5e: {  	s0 =	sand.u32 $0xFFFFFE00, s3;
	s1 =	sshll.u32 s4, $0x2;
	s3 =	sshll.u32 s6, $0x2  }
0x5f: {  	s10 =	sand.u32 $0x7F, s7;
	s0 =	sor.u32 s1, s0;
	s8 =	sor.u32 s3, s2  }
0x60: {  	s1 =	sshll.u32 s10, $0x2;
	[dreg:$0x12] =	wrdreg s0;
	s0 =	sand.u32 $0xFFFFFE00, s9  }
0x61: {  	[dreg:$0x11] =	wrdreg s8;
	s0 =	sor.u32 s1, s0  }
0x62: {  	[dreg:$0x14] =	wrdreg s0;
	s2 =	spop (v2sf)  }
0x63: {  	s31 =	sand.u32 $0x7F, s2;
	s5 =	sshll.u32 s2, $0x2;
	s8 =	sadd.s32 $0x10, s2  }
0x64: {  	s4 =	sand.u32 $0xFFFFFE00, s5;
	s3 =	sshll.u32 s31, $0x2;
	s5 =	spop (v2sf)  }
0x65: {  	(v2sf) =	vpush v1, $0x4;
	s9 =	sand.u32 $0x7F, s8;
	s31 =	sor.u32 s3, s4;
	s6 =	sshll.u32 s5, $0x2  }
0x66: {  	s7 =	sand.u32 $0x7F, s5;
	s3 =	sshll.u32 s8, $0x2;
	s4 =	sshll.u32 s9, $0x2  }
0x67: {  	s10 =	sadd.s32 $0x10, s5;
	s9 =	sadd.s32 $0x20, s5;
	s5 =	sadd.s32 $0x30, s5  }
0x68: {  	(v2sf) =	vpush v0, $0x4;
	s0 =	sand.u32 $0xFFFFFE00, s6;
	s1 =	sshll.u32 s7, $0x2;
	s3 =	sand.u32 $0xFFFFFE00, s3  }
0x69: {  	s6 =	sand.u32 $0x7F, s10;
	s7 =	sadd.s32 $0x20, s2;
	s2 =	sadd.s32 $0x30, s2  }
0x6a: {  	s0 =	sor.u32 s1, s0;
	s3 =	sor.u32 s4, s3;
	s4 =	sshll.u32 s10, $0x2  }
0x6b: {  	s1 =	sshll.u32 s6, $0x2;
	s8 =	sand.u32 $0x7F, s7;
	[dreg:$0x15] =	wrdreg s0  }
0x6c: {  	[dreg:$0x16] =	wrdreg s3;
	s0 =	sand.u32 $0xFFFFFE00, s4;
	s3 =	sshll.u32 s7, $0x2  }
0x6d: {  	s4 =	sshll.u32 s8, $0x2;
	s7 =	sshll.u32 s5, $0x2;
	s8 =	sand.u32 $0x7F, s5  }
0x6e: {  	s3 =	sand.u32 $0xFFFFFE00, s3;
	s0 =	sor.u32 s1, s0;
	s1 =	sshll.u32 s9, $0x2  }
0x6f: {  	[dreg:$0x18] =	wrdreg s0;
	s10 =	sor.u32 s4, s3;
	s3 =	sand.u32 $0x7F, s9  }
0x70: {  	s0 =	sand.u32 $0xFFFFFE00, s1;
	s4 =	sand.u32 $0x7F, s2;
	s2 =	sshll.u32 s2, $0x2  }
0x71: {  	s1 =	sshll.u32 s3, $0x2;
	s2 =	sand.u32 $0xFFFFFE00, s2;
	s3 =	sshll.u32 s4, $0x2  }
0x72: {  	[dreg:$0x17] =	wrdreg s10;
	s0 =	sor.u32 s1, s0;
	s6 =	sor.u32 s3, s2  }
0x73: {  	s1 =	sshll.u32 s8, $0x2;
	[dreg:$0x19] =	wrdreg s0;
	s0 =	sand.u32 $0xFFFFFE00, s7  }
0x74: {  	[dreg:$0x13] =	wrdreg s6;
	s0 =	sor.u32 s1, s0;
	s2 =	spop (v2sf)  }
0x75: {  	[dreg:$0x1b] =	wrdreg s0;
	s10 =	sshll.u32 s2, $0x2  }
0x76: {  	s9 =	sand.u32 $0x7F, s2;
	s8 =	sadd.s32 $0x10, s2;
	s4 =	sand.u32 $0xFFFFFE00, s10  }
0x77: {  	s3 =	sshll.u32 s9, $0x2;
	s5 =	spop (v2sf);
	s9 =	sand.u32 $0x7F, s8  }
0x78: {  	(v2sf) =	vpush v1, $0x5;
	s4 =	sor.u32 s3, s4;
	s6 =	sshll.u32 s5, $0x2;
	s7 =	sand.u32 $0x7F, s5  }
0x79: {  	s3 =	sshll.u32 s8, $0x2;
	s10 =	sadd.s32 $0x10, s5;
	[dreg:$0x1c] =	wrdreg s4  }
0x7a: {  	s0 =	sand.u32 $0xFFFFFE00, s6;
	s1 =	sshll.u32 s7, $0x2;
	s3 =	sand.u32 $0xFFFFFE00, s3  }
0x7b: {  	(v2sf) =	vpush v0, $0x5;
	s4 =	sshll.u32 s9, $0x2;
	s6 =	sand.u32 $0x7F, s10;
	s7 =	sadd.s32 $0x20, s2  }
0x7c: {  	s9 =	sadd.s32 $0x20, s5;
	s2 =	sadd.s32 $0x30, s2;
	s5 =	sadd.s32 $0x30, s5  }
0x7d: {  	s0 =	sor.u32 s1, s0;
	s3 =	sor.u32 s4, s3;
	s4 =	sshll.u32 s10, $0x2  }
0x7e: {  	s1 =	sshll.u32 s6, $0x2;
	s8 =	sand.u32 $0x7F, s7;
	[dreg:$0x1e] =	wrdreg s0  }
0x7f: {  	[dreg:$0x1d] =	wrdreg s3;
	s0 =	sand.u32 $0xFFFFFE00, s4;
	s3 =	sshll.u32 s7, $0x2  }
0x80: {  	s4 =	sshll.u32 s8, $0x2;
	s7 =	sshll.u32 s5, $0x2;
	s8 =	sand.u32 $0x7F, s5  }
0x81: {  	s3 =	sand.u32 $0xFFFFFE00, s3;
	s0 =	sor.u32 s1, s0;
	s1 =	sshll.u32 s9, $0x2  }
0x82: {  	[dreg:$0x1f] =	wrdreg s0;
	s10 =	sor.u32 s4, s3;
	s3 =	sand.u32 $0x7F, s9  }
0x83: {  	s0 =	sand.u32 $0xFFFFFE00, s1;
	s4 =	sand.u32 $0x7F, s2;
	s2 =	sshll.u32 s2, $0x2  }
0x84: {  	s1 =	sshll.u32 s3, $0x2;
	s2 =	sand.u32 $0xFFFFFE00, s2;
	s3 =	sshll.u32 s4, $0x2  }
0x85: {  	[dreg:$0x1a] =	wrdreg s10;
	s0 =	sor.u32 s1, s0;
	s6 =	sor.u32 s3, s2  }
0x86: {  	s1 =	sshll.u32 s8, $0x2;
	[smem:$0x7BD] =	sst s0;
	s0 =	sand.u32 $0xFFFFFE00, s7  }
0x87: {  	[smem:$0x7BE] =	sst s6;
	s0 =	sor.u32 s1, s0;
	s2 =	spop (v2sf)  }
0x88: {  	[smem:$0x7BF] =	sst s0;
	s10 =	sshll.u32 s2, $0x2  }
0x89: {  	s9 =	sand.u32 $0x7F, s2;
	s8 =	sadd.s32 $0x10, s2;
	s4 =	sand.u32 $0xFFFFFE00, s10  }
0x8a: {  	s3 =	sshll.u32 s9, $0x2;
	s5 =	spop (v2sf);
	s9 =	sand.u32 $0x7F, s8  }
0x8b: {  	(v2sf) =	vpush v1, $0x6;
	s4 =	sor.u32 s3, s4;
	s6 =	sshll.u32 s5, $0x2;
	s7 =	sand.u32 $0x7F, s5  }
0x8c: {  	s3 =	sshll.u32 s8, $0x2;
	s10 =	sadd.s32 $0x10, s5;
	[smem:$0x7C0] =	sst s4  }
0x8d: {  	s0 =	sand.u32 $0xFFFFFE00, s6;
	s1 =	sshll.u32 s7, $0x2;
	s3 =	sand.u32 $0xFFFFFE00, s3  }
0x8e: {  	(v2sf) =	vpush v0, $0x6;
	s4 =	sshll.u32 s9, $0x2;
	s6 =	sand.u32 $0x7F, s10;
	s7 =	sadd.s32 $0x20, s2  }
0x8f: {  	s9 =	sadd.s32 $0x20, s5;
	s2 =	sadd.s32 $0x30, s2;
	s5 =	sadd.s32 $0x30, s5  }
0x90: {  	s0 =	sor.u32 s1, s0;
	s3 =	sor.u32 s4, s3;
	s4 =	sshll.u32 s10, $0x2  }
0x91: {  	s1 =	sshll.u32 s6, $0x2;
	s8 =	sand.u32 $0x7F, s7;
	[smem:$0x7C1] =	sst s0  }
0x92: {  	[smem:$0x7C2] =	sst s3;
	s0 =	sand.u32 $0xFFFFFE00, s4;
	s3 =	sshll.u32 s7, $0x2  }
0x93: {  	s4 =	sshll.u32 s8, $0x2;
	s7 =	sshll.u32 s5, $0x2;
	s8 =	sand.u32 $0x7F, s5  }
0x94: {  	s3 =	sand.u32 $0xFFFFFE00, s3;
	s0 =	sor.u32 s1, s0;
	s1 =	sshll.u32 s9, $0x2  }
0x95: {  	[smem:$0x7C3] =	sst s0;
	s10 =	sor.u32 s4, s3;
	s3 =	sand.u32 $0x7F, s9  }
0x96: {  	s0 =	sand.u32 $0xFFFFFE00, s1;
	s4 =	sand.u32 $0x7F, s2;
	s2 =	sshll.u32 s2, $0x2  }
0x97: {  	s1 =	sshll.u32 s3, $0x2;
	s2 =	sand.u32 $0xFFFFFE00, s2;
	s3 =	sshll.u32 s4, $0x2  }
0x98: {  	[smem:$0x7C4] =	sst s10;
	s0 =	sor.u32 s1, s0;
	s6 =	sor.u32 s3, s2  }
0x99: {  	s1 =	sshll.u32 s8, $0x2;
	[smem:$0x7C5] =	sst s0;
	s0 =	sand.u32 $0xFFFFFE00, s7  }
0x9a: {  	[smem:$0x7C6] =	sst s6;
	s0 =	sor.u32 s1, s0;
	s2 =	spop (v2sf)  }
0x9b: {  	[smem:$0x7C7] =	sst s0;
	s10 =	sshll.u32 s2, $0x2  }
0x9c: {  	s9 =	sand.u32 $0x7F, s2;
	s8 =	sadd.s32 $0x10, s2;
	s4 =	sand.u32 $0xFFFFFE00, s10  }
0x9d: {  	s3 =	sshll.u32 s9, $0x2;
	s5 =	spop (v2sf);
	s9 =	sand.u32 $0x7F, s8  }
0x9e: {  	(v2sf) =	vpush v1, $0x7;
	s4 =	sor.u32 s3, s4;
	s6 =	sshll.u32 s5, $0x2;
	s7 =	sand.u32 $0x7F, s5  }
0x9f: {  	s3 =	sshll.u32 s8, $0x2;
	s10 =	sadd.s32 $0x10, s5;
	[smem:$0x7C8] =	sst s4  }
0xa0: {  	s0 =	sand.u32 $0xFFFFFE00, s6;
	s1 =	sshll.u32 s7, $0x2;
	s3 =	sand.u32 $0xFFFFFE00, s3  }
0xa1: {  	(v2sf) =	vpush v0, $0x7;
	s4 =	sshll.u32 s9, $0x2;
	s6 =	sand.u32 $0x7F, s10;
	s7 =	sadd.s32 $0x20, s2  }
0xa2: {  	s9 =	sadd.s32 $0x20, s5;
	s2 =	sadd.s32 $0x30, s2;
	s5 =	sadd.s32 $0x30, s5  }
0xa3: {  	s0 =	sor.u32 s1, s0;
	s3 =	sor.u32 s4, s3;
	s4 =	sshll.u32 s10, $0x2  }
0xa4: {  	s1 =	sshll.u32 s6, $0x2;
	s8 =	sand.u32 $0x7F, s7;
	[smem:$0x7C9] =	sst s0  }
0xa5: {  	[smem:$0x7CA] =	sst s3;
	s0 =	sand.u32 $0xFFFFFE00, s4;
	s3 =	sshll.u32 s7, $0x2  }
0xa6: {  	s4 =	sshll.u32 s8, $0x2;
	s7 =	sshll.u32 s5, $0x2;
	s8 =	sand.u32 $0x7F, s5  }
0xa7: {  	s3 =	sand.u32 $0xFFFFFE00, s3;
	s0 =	sor.u32 s1, s0;
	s1 =	sshll.u32 s9, $0x2  }
0xa8: {  	[smem:$0x7CB] =	sst s0;
	s10 =	sor.u32 s4, s3;
	s3 =	sand.u32 $0x7F, s9  }
0xa9: {  	s0 =	sand.u32 $0xFFFFFE00, s1;
	s4 =	sand.u32 $0x7F, s2;
	s2 =	sshll.u32 s2, $0x2  }
0xaa: {  	s1 =	sshll.u32 s3, $0x2;
	s2 =	sand.u32 $0xFFFFFE00, s2;
	s3 =	sshll.u32 s4, $0x2  }
0xab: {  	[smem:$0x7CC] =	sst s10;
	s0 =	sor.u32 s1, s0;
	s6 =	sor.u32 s3, s2  }
0xac: {  	s1 =	sshll.u32 s8, $0x2;
	[smem:$0x7CD] =	sst s0;
	s0 =	sand.u32 $0xFFFFFE00, s7  }
0xad: {  	[smem:$0x7CE] =	sst s6;
	s0 =	sor.u32 s1, s0;
	s2 =	spop (v2sf)  }
0xae: {  	[smem:$0x7CF] =	sst s0;
	s10 =	sshll.u32 s2, $0x2  }
0xaf: {  	s9 =	sand.u32 $0x7F, s2;
	s8 =	sadd.s32 $0x10, s2;
	s4 =	sand.u32 $0xFFFFFE00, s10  }
0xb0: {  	s3 =	sshll.u32 s9, $0x2;
	s5 =	spop (v2sf);
	s9 =	sand.u32 $0x7F, s8  }
0xb1: {  	(v2sf) =	vpush v1, $0x8;
	s4 =	sor.u32 s3, s4;
	s6 =	sshll.u32 s5, $0x2;
	s7 =	sand.u32 $0x7F, s5  }
0xb2: {  	s3 =	sshll.u32 s8, $0x2;
	s10 =	sadd.s32 $0x10, s5;
	[smem:$0x7D0] =	sst s4  }
0xb3: {  	s0 =	sand.u32 $0xFFFFFE00, s6;
	s1 =	sshll.u32 s7, $0x2;
	s3 =	sand.u32 $0xFFFFFE00, s3  }
0xb4: {  	(v2sf) =	vpush v0, $0x8;
	s4 =	sshll.u32 s9, $0x2;
	s6 =	sand.u32 $0x7F, s10;
	s7 =	sadd.s32 $0x20, s2  }
0xb5: {  	s9 =	sadd.s32 $0x20, s5;
	s2 =	sadd.s32 $0x30, s2;
	s5 =	sadd.s32 $0x30, s5  }
0xb6: {  	s0 =	sor.u32 s1, s0;
	s3 =	sor.u32 s4, s3;
	s4 =	sshll.u32 s10, $0x2  }
0xb7: {  	s1 =	sshll.u32 s6, $0x2;
	s8 =	sand.u32 $0x7F, s7;
	[smem:$0x7D1] =	sst s0  }
0xb8: {  	[smem:$0x7D2] =	sst s3;
	s0 =	sand.u32 $0xFFFFFE00, s4;
	s3 =	sshll.u32 s7, $0x2  }
0xb9: {  	s4 =	sshll.u32 s8, $0x2;
	s7 =	sshll.u32 s5, $0x2;
	s8 =	sand.u32 $0x7F, s5  }
0xba: {  	s3 =	sand.u32 $0xFFFFFE00, s3;
	s0 =	sor.u32 s1, s0;
	s1 =	sshll.u32 s9, $0x2  }
0xbb: {  	[smem:$0x7D3] =	sst s0;
	s10 =	sor.u32 s4, s3;
	s3 =	sand.u32 $0x7F, s9  }
0xbc: {  	s0 =	sand.u32 $0xFFFFFE00, s1;
	s4 =	sand.u32 $0x7F, s2;
	s2 =	sshll.u32 s2, $0x2  }
0xbd: {  	s1 =	sshll.u32 s3, $0x2;
	s2 =	sand.u32 $0xFFFFFE00, s2;
	s3 =	sshll.u32 s4, $0x2  }
0xbe: {  	[smem:$0x7D4] =	sst s10;
	s0 =	sor.u32 s1, s0;
	s6 =	sor.u32 s3, s2  }
0xbf: {  	s1 =	sshll.u32 s8, $0x2;
	[smem:$0x7D5] =	sst s0;
	s0 =	sand.u32 $0xFFFFFE00, s7  }
0xc0: {  	[smem:$0x7D6] =	sst s6;
	s0 =	sor.u32 s1, s0;
	s2 =	spop (v2sf)  }
0xc1: {  	[smem:$0x7D7] =	sst s0;
	s10 =	sshll.u32 s2, $0x2  }
0xc2: {  	s9 =	sand.u32 $0x7F, s2;
	s8 =	sadd.s32 $0x10, s2;
	s4 =	sand.u32 $0xFFFFFE00, s10  }
0xc3: {  	s3 =	sshll.u32 s9, $0x2;
	s5 =	spop (v2sf);
	s9 =	sand.u32 $0x7F, s8  }
0xc4: {  	(v2sf) =	vpush v1, $0x9;
	s4 =	sor.u32 s3, s4;
	s6 =	sshll.u32 s5, $0x2;
	s7 =	sand.u32 $0x7F, s5  }
0xc5: {  	s3 =	sshll.u32 s8, $0x2;
	s10 =	sadd.s32 $0x10, s5;
	[smem:$0x7D8] =	sst s4  }
0xc6: {  	s0 =	sand.u32 $0xFFFFFE00, s6;
	s1 =	sshll.u32 s7, $0x2;
	s3 =	sand.u32 $0xFFFFFE00, s3  }
0xc7: {  	(v2sf) =	vpush v0, $0x9;
	s4 =	sshll.u32 s9, $0x2;
	s6 =	sand.u32 $0x7F, s10;
	s7 =	sadd.s32 $0x20, s2  }
0xc8: {  	s9 =	sadd.s32 $0x20, s5;
	s2 =	sadd.s32 $0x30, s2;
	s5 =	sadd.s32 $0x30, s5  }
0xc9: {  	s0 =	sor.u32 s1, s0;
	s3 =	sor.u32 s4, s3;
	s4 =	sshll.u32 s10, $0x2  }
0xca: {  	s1 =	sshll.u32 s6, $0x2;
	s8 =	sand.u32 $0x7F, s7;
	[smem:$0x7D9] =	sst s0  }
0xcb: {  	[smem:$0x7DA] =	sst s3;
	s0 =	sand.u32 $0xFFFFFE00, s4;
	s3 =	sshll.u32 s7, $0x2  }
0xcc: {  	s4 =	sshll.u32 s8, $0x2;
	s7 =	sshll.u32 s5, $0x2;
	s8 =	sand.u32 $0x7F, s5  }
0xcd: {  	s3 =	sand.u32 $0xFFFFFE00, s3;
	s0 =	sor.u32 s1, s0;
	s1 =	sshll.u32 s9, $0x2  }
0xce: {  	[smem:$0x7DB] =	sst s0;
	s10 =	sor.u32 s4, s3;
	s3 =	sand.u32 $0x7F, s9  }
0xcf: {  	s0 =	sand.u32 $0xFFFFFE00, s1;
	s4 =	sand.u32 $0x7F, s2;
	s2 =	sshll.u32 s2, $0x2  }
0xd0: {  	s1 =	sshll.u32 s3, $0x2;
	s2 =	sand.u32 $0xFFFFFE00, s2;
	s3 =	sshll.u32 s4, $0x2  }
0xd1: {  	[smem:$0x7DC] =	sst s10;
	s0 =	sor.u32 s1, s0;
	s6 =	sor.u32 s3, s2  }
0xd2: {  	s1 =	sshll.u32 s8, $0x2;
	[smem:$0x7DD] =	sst s0;
	s0 =	sand.u32 $0xFFFFFE00, s7  }
0xd3: {  	[smem:$0x7DE] =	sst s6;
	s0 =	sor.u32 s1, s0;
	s2 =	spop (v2sf)  }
0xd4: {  	[smem:$0x7DF] =	sst s0;
	s10 =	sshll.u32 s2, $0x2  }
0xd5: {  	s9 =	sand.u32 $0x7F, s2;
	s8 =	sadd.s32 $0x10, s2;
	s4 =	sand.u32 $0xFFFFFE00, s10  }
0xd6: {  	s3 =	sshll.u32 s9, $0x2;
	s5 =	spop (v2sf);
	s9 =	sand.u32 $0x7F, s8  }
0xd7: {  	(v2sf) =	vpush v1, $0xA;
	s4 =	sor.u32 s3, s4;
	s6 =	sshll.u32 s5, $0x2;
	s7 =	sand.u32 $0x7F, s5  }
0xd8: {  	s3 =	sshll.u32 s8, $0x2;
	s10 =	sadd.s32 $0x10, s5;
	[smem:$0x7E0] =	sst s4  }
0xd9: {  	s0 =	sand.u32 $0xFFFFFE00, s6;
	s1 =	sshll.u32 s7, $0x2;
	s3 =	sand.u32 $0xFFFFFE00, s3  }
0xda: {  	(v2sf) =	vpush v0, $0xA;
	s4 =	sshll.u32 s9, $0x2;
	s6 =	sand.u32 $0x7F, s10;
	s7 =	sadd.s32 $0x20, s2  }
0xdb: {  	s9 =	sadd.s32 $0x20, s5;
	s2 =	sadd.s32 $0x30, s2;
	s5 =	sadd.s32 $0x30, s5  }
0xdc: {  	s0 =	sor.u32 s1, s0;
	s3 =	sor.u32 s4, s3;
	s4 =	sshll.u32 s10, $0x2  }
0xdd: {  	s1 =	sshll.u32 s6, $0x2;
	s8 =	sand.u32 $0x7F, s7;
	[smem:$0x7E1] =	sst s0  }
0xde: {  	[smem:$0x7E2] =	sst s3;
	s0 =	sand.u32 $0xFFFFFE00, s4;
	s3 =	sshll.u32 s7, $0x2  }
0xdf: {  	s4 =	sshll.u32 s8, $0x2;
	s7 =	sshll.u32 s5, $0x2;
	s8 =	sand.u32 $0x7F, s5  }
0xe0: {  	s3 =	sand.u32 $0xFFFFFE00, s3;
	s0 =	sor.u32 s1, s0;
	s1 =	sshll.u32 s9, $0x2  }
0xe1: {  	[smem:$0x7E3] =	sst s0;
	s10 =	sor.u32 s4, s3;
	s3 =	sand.u32 $0x7F, s9  }
0xe2: {  	s0 =	sand.u32 $0xFFFFFE00, s1;
	s4 =	sand.u32 $0x7F, s2;
	s2 =	sshll.u32 s2, $0x2  }
0xe3: {  	s1 =	sshll.u32 s3, $0x2;
	s2 =	sand.u32 $0xFFFFFE00, s2;
	s3 =	sshll.u32 s4, $0x2  }
0xe4: {  	[smem:$0x7E4] =	sst s10;
	s0 =	sor.u32 s1, s0;
	s6 =	sor.u32 s3, s2  }
0xe5: {  	s1 =	sshll.u32 s8, $0x2;
	[smem:$0x7E5] =	sst s0;
	s0 =	sand.u32 $0xFFFFFE00, s7  }
0xe6: {  	[smem:$0x7E6] =	sst s6;
	s0 =	sor.u32 s1, s0;
	s2 =	spop (v2sf)  }
0xe7: {  	[smem:$0x7E7] =	sst s0;
	s10 =	sshll.u32 s2, $0x2  }
0xe8: {  	s9 =	sand.u32 $0x7F, s2;
	s8 =	sadd.s32 $0x10, s2;
	s4 =	sand.u32 $0xFFFFFE00, s10  }
0xe9: {  	s3 =	sshll.u32 s9, $0x2;
	s5 =	spop (v2sf);
	s9 =	sand.u32 $0x7F, s8  }
0xea: {  	(v2sf) =	vpush v1, $0xB;
	s4 =	sor.u32 s3, s4;
	s6 =	sshll.u32 s5, $0x2;
	s7 =	sand.u32 $0x7F, s5  }
0xeb: {  	s3 =	sshll.u32 s8, $0x2;
	s10 =	sadd.s32 $0x10, s5;
	[smem:$0x7E8] =	sst s4  }
0xec: {  	s0 =	sand.u32 $0xFFFFFE00, s6;
	s1 =	sshll.u32 s7, $0x2;
	s3 =	sand.u32 $0xFFFFFE00, s3  }
0xed: {  	(v2sf) =	vpush v0, $0xB;
	s4 =	sshll.u32 s9, $0x2;
	s6 =	sand.u32 $0x7F, s10;
	s7 =	sadd.s32 $0x20, s2  }
0xee: {  	s9 =	sadd.s32 $0x20, s5;
	s2 =	sadd.s32 $0x30, s2;
	s5 =	sadd.s32 $0x30, s5  }
0xef: {  	s0 =	sor.u32 s1, s0;
	s3 =	sor.u32 s4, s3;
	s4 =	sshll.u32 s10, $0x2  }
0xf0: {  	s1 =	sshll.u32 s6, $0x2;
	s8 =	sand.u32 $0x7F, s7;
	[smem:$0x7E9] =	sst s0  }
0xf1: {  	[smem:$0x7EA] =	sst s3;
	s0 =	sand.u32 $0xFFFFFE00, s4;
	s3 =	sshll.u32 s7, $0x2  }
0xf2: {  	s4 =	sshll.u32 s8, $0x2;
	s7 =	sshll.u32 s5, $0x2;
	s8 =	sand.u32 $0x7F, s5  }
0xf3: {  	s3 =	sand.u32 $0xFFFFFE00, s3;
	s0 =	sor.u32 s1, s0;
	s1 =	sshll.u32 s9, $0x2  }
0xf4: {  	[smem:$0x7EB] =	sst s0;
	s10 =	sor.u32 s4, s3;
	s3 =	sand.u32 $0x7F, s9  }
0xf5: {  	s0 =	sand.u32 $0xFFFFFE00, s1;
	s4 =	sand.u32 $0x7F, s2;
	s2 =	sshll.u32 s2, $0x2  }
0xf6: {  	s1 =	sshll.u32 s3, $0x2;
	s2 =	sand.u32 $0xFFFFFE00, s2;
	s3 =	sshll.u32 s4, $0x2  }
0xf7: {  	[smem:$0x7EC] =	sst s10;
	s0 =	sor.u32 s1, s0;
	s6 =	sor.u32 s3, s2  }
0xf8: {  	s1 =	sshll.u32 s8, $0x2;
	[smem:$0x7ED] =	sst s0;
	s0 =	sand.u32 $0xFFFFFE00, s7  }
0xf9: {  	[smem:$0x7EE] =	sst s6;
	s0 =	sor.u32 s1, s0;
	s2 =	spop (v2sf)  }
0xfa: {  	[smem:$0x7EF] =	sst s0;
	s10 =	sshll.u32 s2, $0x2  }
0xfb: {  	s9 =	sand.u32 $0x7F, s2;
	s8 =	sadd.s32 $0x10, s2;
	s4 =	sand.u32 $0xFFFFFE00, s10  }
0xfc: {  	s3 =	sshll.u32 s9, $0x2;
	s5 =	spop (v2sf);
	s9 =	sand.u32 $0x7F, s8  }
0xfd: {  	s4 =	sor.u32 s3, s4;
	s6 =	sshll.u32 s5, $0x2;
	s7 =	sand.u32 $0x7F, s5  }
0xfe: {  	(v2sf) =	vpush v1, $0xC;
	s3 =	sshll.u32 s8, $0x2;
	s10 =	sadd.s32 $0x10, s5;
	[smem:$0x7F0] =	sst s4  }
0xff: {  	s0 =	sand.u32 $0xFFFFFE00, s6;
	s1 =	sshll.u32 s7, $0x2;
	s3 =	sand.u32 $0xFFFFFE00, s3  }
0x100: {  	(v2sf) =	vpush v0, $0xC;
	s4 =	sshll.u32 s9, $0x2;
	s6 =	sand.u32 $0x7F, s10;
	s7 =	sadd.s32 $0x20, s2  }
0x101: {  	s9 =	sadd.s32 $0x20, s5;
	s2 =	sadd.s32 $0x30, s2;
	s5 =	sadd.s32 $0x30, s5  }
0x102: {  	s0 =	sor.u32 s1, s0;
	s3 =	sor.u32 s4, s3;
	s4 =	sshll.u32 s10, $0x2  }
0x103: {  	s1 =	sshll.u32 s6, $0x2;
	s8 =	sand.u32 $0x7F, s7;
	[smem:$0x7F1] =	sst s0  }
0x104: {  	[smem:$0x7F2] =	sst s3;
	s0 =	sand.u32 $0xFFFFFE00, s4;
	s3 =	sshll.u32 s7, $0x2  }
0x105: {  	s4 =	sshll.u32 s8, $0x2;
	s7 =	sshll.u32 s5, $0x2;
	s8 =	sand.u32 $0x7F, s5  }
0x106: {  	s3 =	sand.u32 $0xFFFFFE00, s3;
	s0 =	sor.u32 s1, s0;
	s1 =	sshll.u32 s9, $0x2  }
0x107: {  	[smem:$0x7F3] =	sst s0;
	s10 =	sor.u32 s4, s3;
	s3 =	sand.u32 $0x7F, s9  }
0x108: {  	s0 =	sand.u32 $0xFFFFFE00, s1;
	s4 =	sand.u32 $0x7F, s2;
	s2 =	sshll.u32 s2, $0x2  }
0x109: {  	s1 =	sshll.u32 s3, $0x2;
	s2 =	sand.u32 $0xFFFFFE00, s2;
	s3 =	sshll.u32 s4, $0x2  }
0x10a: {  	[smem:$0x7F4] =	sst s10;
	s0 =	sor.u32 s1, s0;
	s6 =	sor.u32 s3, s2  }
0x10b: {  	s1 =	sshll.u32 s8, $0x2;
	[smem:$0x7F5] =	sst s0;
	s0 =	sand.u32 $0xFFFFFE00, s7  }
0x10c: {  	s11 =	sshra.s32 s11, $0x2;
	[smem:$0x7F6] =	sst s6;
	s0 =	sor.u32 s1, s0  }
0x10d: {  	s12 =	sshra.s32 s12, $0x2;
	[smem:$0x7F7] =	sst s0;
	s2 =	spop (v2sf)  }
0x10e: {  	s9 =	sand.u32 $0x7F, s2;
	s10 =	sshll.u32 s2, $0x2;
	s8 =	sadd.s32 $0x10, s2  }
0x10f: {  	(v2sf) =	vpush v1, $0xD;
	s4 =	sand.u32 $0xFFFFFE00, s10;
	s3 =	sshll.u32 s9, $0x2;
	s5 =	spop (v2sf)  }
0x110: {  	s9 =	sand.u32 $0x7F, s8;
	s4 =	sor.u32 s3, s4;
	s6 =	sshll.u32 s5, $0x2  }
0x111: {  	(v2sf) =	vpush v0, $0xD;
	s7 =	sand.u32 $0x7F, s5;
	s3 =	sshll.u32 s8, $0x2;
	s10 =	sadd.s32 $0x10, s5  }
0x112: {  	[smem:$0x7F8] =	sst s4;
	s0 =	sand.u32 $0xFFFFFE00, s6;
	s1 =	sshll.u32 s7, $0x2  }
0x113: {  	s3 =	sand.u32 $0xFFFFFE00, s3;
	s4 =	sshll.u32 s9, $0x2;
	s6 =	sand.u32 $0x7F, s10  }
0x114: {  	s7 =	sadd.s32 $0x20, s2;
	s9 =	sadd.s32 $0x20, s5;
	s2 =	sadd.s32 $0x30, s2  }
0x115: {  	s5 =	sadd.s32 $0x30, s5;
	s0 =	sor.u32 s1, s0;
	s3 =	sor.u32 s4, s3  }
0x116: {  	s4 =	sshll.u32 s10, $0x2;
	s1 =	sshll.u32 s6, $0x2;
	[smem:$0x7F9] =	sst s0  }
0x117: {  	s8 =	sand.u32 $0x7F, s7;
	s6 =	sshll.u32 s5, $0x2;
	[smem:$0x7FA] =	sst s3  }
0x118: {  	s0 =	sand.u32 $0xFFFFFE00, s4;
	s3 =	sshll.u32 s7, $0x2;
	s4 =	sshll.u32 s8, $0x2  }
0x119: {  	s7 =	sand.u32 $0x7F, s5;
	s8 =	sand.u32 $0xFFFFFE00, s6;
	s0 =	sor.u32 s1, s0  }
0x11a: {  	s3 =	sand.u32 $0xFFFFFE00, s3;
	s1 =	sshll.u32 s9, $0x2;
	[smem:$0x7FB] =	sst s0  }
0x11b: {  	s10 =	sor.u32 s4, s3;
	s3 =	sand.u32 $0x7F, s9;
	s0 =	sand.u32 $0xFFFFFE00, s1  }
0x11c: {  	s4 =	sand.u32 $0x7F, s2;
	s2 =	sshll.u32 s2, $0x2;
	[smem:$0x7FC] =	sst s10  }
0x11d: {  	s1 =	sshll.u32 s3, $0x2;
	s2 =	sand.u32 $0xFFFFFE00, s2;
	s3 =	sshll.u32 s4, $0x2  }
0x11e: {  	s9 =	sor.u32 s1, s0;
	s10 =	sor.u32 s3, s2;
	s1 =	spop (v2sf)  }
0x11f: {  	s2 =	sshll.u32 s7, $0x2;
	s5 =	sand.u32 $0x7F, s1;
	s6 =	sshll.u32 s1, $0x2  }
0x120: {  	s4 =	sand.u32 $0xFFFFFE00, s6;
	s7 =	sshll.u32 s5, $0x2;
	s0 =	spop (v2sf)  }
0x121: {  	s8 =	sor.u32 s2, s8;
	s7 =	sor.u32 s7, s4;
	s4 =	sshll.u32 s0, $0x2  }
0x122: {  	s6 =	sadd.s32 $0x10, s1;
	s5 =	sand.u32 $0x7F, s0;
	s2 =	sand.u32 $0xFFFFFE00, s4  }
0x123: {  	s3 =	sshll.u32 s5, $0x2;
	s5 =	sand.u32 $0x7F, s6;
	s4 =	sshll.u32 s6, $0x2  }
0x124: {  	s19 =	sshra.s32 s19, $0x2;
	s4 =	sand.u32 $0xFFFFFE00, s4;
	s5 =	sshll.u32 s5, $0x2  }
0x125: {  	s5 =	sor.u32 s5, s4;
	s4 =	sshra.s32 s25, $0x2;
	s25 =	sshra.s32 s24, $0x2  }
0x126: {  	s30 =	sshra.s32 s30, $0x2;
	s6 =	sor.u32 s3, s2;
	s2 =	sadd.s32 s25, s4  }
0x127: {  	s11 =	sadd.s32 s25, s11;
	s3 =	sadd.s32 s25, s12;
	s12 =	sshra.s32 s15, $0x2;
	v3 =	vld [tilespmem:s2+$0x800]  }
0x128: {  	s15 =	sshra.s32 s13, $0x2;
	v4 =	vld [tilespmem:s11+$0x8800];
	s2 =	sadd.s32 s25, s12;
	s11 =	sadd.s32 $0x10, s0  }
0x129: {  	s12 =	sadd.s32 s25, s15;
	s15 =	sand.u32 $0x7F, s11;
	s13 =	sshll.u32 s11, $0x2  }
0x12a: {  	s11 =	sshra.s32 s16, $0x2;
	s16 =	sshra.s32 s18, $0x2;
	s13 =	sand.u32 $0xFFFFFE00, s13  }
0x12b: {  	v6 =	vld [tilespmem:s2+$0x8800];
	s4 =	sshll.u32 s15, $0x2;
	s2 =	sadd.s32 s25, s11;
	s15 =	sshra.s32 s17, $0x2  }
0x12c: {  	s18 =	sadd.s32 s25, s16;
	s11 =	sshra.s32 s21, $0x2;
	s21 =	sshra.s32 s23, $0x2  }
0x12d: {  	v7 =	vld [tilespmem:s12+$0x800];
	s12 =	sor.u32 s4, s13;
	s13 =	sshra.s32 s14, $0x2;
	s17 =	sadd.s32 s25, s15  }
0x12e: {  	s15 =	sadd.s32 $0x20, s1;
	v10 =	vld [tilespmem:s18+$0x880];
	s18 =	sshra.s32 s22, $0x2;
	s22 =	sshra.s32 s26, $0x2  }
0x12f: {  	s23 =	sadd.s32 s25, s21;
	s21 =	rddreg [dreg:$0x10];
	s1 =	sadd.s32 $0x30, s1  }
0x130: {  	v8 =	vld [tilespmem:s2+$0x8800];
	[smem:$0x7FD] =	sst s12;
	s14 =	sadd.s32 s25, s13;
	s12 =	sadd.s32 s25, s11  }
0x131: {  	v12 =	vld [tilespmem:s17+$0x8800];
	s17 =	sand.u32 $0x7F, s15;
	s13 =	sshll.u32 s15, $0x2;
	s2 =	sadd.s32 s25, s18  }
0x132: {  	s26 =	sadd.s32 s25, s22;
	s18 =	sshra.s32 s28, $0x2;
	s28 =	rddreg [dreg:$0x12]  }
0x133: {  	s11 =	sadd.s32 s25, s30;
	s22 =	sshra.s32 s21, $0x2;
	s21 =	rddreg [dreg:$0x15]  }
0x134: {  	v9 =	vld [tilespmem:s14+$0x800];
	s14 =	sshra.s32 s20, $0x2;
	s13 =	sand.u32 $0xFFFFFE00, s13;
	s4 =	sshll.u32 s17, $0x2  }
0x135: {  	v13 =	vld [tilespmem:s12+$0x8880];
	s20 =	sadd.s32 s25, s19;
	s12 =	sshra.s32 s29, $0x2;
	s17 =	rddreg [dreg:$0xe]  }
0x136: {  	v18 =	vld [tilespmem:s26+$0x880];
	s19 =	sadd.s32 s25, s18;
	s26 =	sadd.s32 s25, s22;
	s29 =	sshra.s32 s28, $0x2  }
0x137: {  	s22 =	rddreg [dreg:$0x16];
	s16 =	sadd.s32 s25, s14;
	s13 =	sor.u32 s4, s13  }
0x138: {  	v15 =	vld [tilespmem:s2+$0x8880];
	s14 =	sadd.s32 $0x20, s0;
	s15 =	sadd.s32 s25, s12;
	s12 =	rddreg [dreg:$0x11]  }
0x139: {  	v16 =	vld [tilespmem:s20+$0x880];
	s2 =	sshra.s32 s17, $0x2;
	s30 =	sadd.s32 s25, s29;
	s17 =	rddreg [dreg:$0x14]  }
0x13a: {  	v22 =	vld [tilespmem:s19+$0x900];
	s19 =	sshra.s32 s31, $0x2;
	s29 =	rddreg [dreg:$0x18];
	s0 =	sadd.s32 $0x30, s0  }
0x13b: {  	v14 =	vld [tilespmem:s16+$0x880];
	s16 =	sand.u32 $0x7F, s14;
	s20 =	sshll.u32 s14, $0x2;
	s2 =	sadd.s32 s25, s2  }
0x13c: {  	s14 =	sshra.s32 s12, $0x2;
	v25 =	vld [tilespmem:s30+$0x8900];
	s30 =	sshra.s32 s29, $0x2;
	s12 =	rddreg [dreg:$0x17]  }
0x13d: {  	s29 =	rddreg [dreg:$0x1e];
	s20 =	sand.u32 $0xFFFFFE00, s20;
	s4 =	sshll.u32 s16, $0x2  }
0x13e: {  	v20 =	vld [tilespmem:s15+$0x900];
	s15 =	sadd.s32 s25, s14;
	s16 =	sand.u32 $0x7F, s1;
	s1 =	sshll.u32 s1, $0x2  }
0x13f: {  	(v2sf) =	vpush v1, $0xE;
	v21 =	vld [tilespmem:s2+$0x8900];
	s2 =	sshra.s32 s17, $0x2;
	s31 =	sadd.s32 s25, s30;
	s17 =	rddreg [dreg:$0x19]  }
0x140: {  	s14 =	sshra.s32 s12, $0x2;
	s30 =	sshra.s32 s29, $0x2;
	s12 =	rddreg [dreg:$0x1d]  }
0x141: {  	v5 =	vld [tilespmem:s3+$0x800];
	s4 =	sor.u32 s4, s20;
	s20 =	rddreg [dreg:$0xf];
	s1 =	sand.u32 $0xFFFFFE00, s1  }
0x142: {  	v26 =	vld [tilespmem:s15+$0x900];
	s18 =	sadd.s32 s25, s2;
	s2 =	sshra.s32 s21, $0x2;
	s15 =	sadd.s32 s25, s14  }
0x143: {  	v31 =	vld [tilespmem:s31+$0x8980];
	s21 =	rddreg [dreg:$0x1b];
	s31 =	sadd.s32 s25, s30;
	s14 =	sshra.s32 s12, $0x2  }
0x144: {  	v17 =	vld [tilespmem:s23+$0x8880];
	s12 =	sld [smem:$0x7BF];
	s3 =	sshra.s32 s20, $0x2;
	s20 =	sshll.u32 s16, $0x2  }
0x145: {  	(v2sf) =	vpush v0, $0xE;
	v24 =	vld [tilespmem:s26+$0x900];
	s26 =	sadd.s32 s25, s2;
	s16 =	sand.u32 $0x7F, s0;
	s0 =	sshll.u32 s0, $0x2  }
0x146: {  	v32 =	vld [tilespmem:s15+$0x980];
	s15 =	sadd.s32 s25, s14;
	s23 =	sadd.s32 s25, s3;
	s3 =	sor.u32 s20, s1  }
0x147: {  	s20 =	sadd.s32 s25, s19;
	s1 =	sshra.s32 s17, $0x2;
	s0 =	sand.u32 $0xFFFFFE00, s0;
	v23 =	vld [tilespmem:s23+$0x8900]  }
0x148: {  	s19 =	rddreg [dreg:$0x13];
	s23 =	sshra.s32 s22, $0x2;
	v28 =	vld [tilespmem:s20+$0x980];
	s20 =	sshll.u32 s16, $0x2  }
0x149: {  	v27 =	vld [tilespmem:s18+$0x8900];
	s18 =	sadd.s32 s25, s1;
	s1 =	sshra.s32 s19, $0x2;
	s22 =	rddreg [dreg:$0x1c]  }
0x14a: {  	v29 =	vld [tilespmem:s26+$0x8980];
	s19 =	rddreg [dreg:$0x1a];
	s14 =	sshra.s32 s12, $0x2;
	s28 =	sadd.s32 s25, s23  }
0x14b: {  	v38 =	vld [tilespmem:s15+$0xA00];
	s2 =	sor.u32 s20, s0;
	s20 =	sadd.s32 s25, s1;
	s1 =	sshra.s32 s21, $0x2  }
0x14c: {  	v33 =	vld [tilespmem:s18+$0x8980];
	s23 =	sshra.s32 s22, $0x2;
	s18 =	rddreg [dreg:$0x1f];
	s21 =	sshra.s32 s19, $0x2  }
0x14d: {  	s15 =	sadd.s32 s25, s14;
	s14 =	sld [smem:$0x7C2];
	v30 =	vld [tilespmem:s28+$0x980];
	s26 =	sadd.s32 s25, s1  }
0x14e: {  	v34 =	vld [tilespmem:s20+$0x980];
	s28 =	sadd.s32 s25, s23;
	s20 =	spop (v2sf);
	s0 =	sshra.s32 s18, $0x2  }
0x14f: {  	s23 =	sld [smem:$0x7BD];
	s16 =	sand.u32 $0x7F, s20;
	s17 =	sshll.u32 s20, $0x2  }
0x150: {  	v36 =	vld [tilespmem:s28+$0xA00];
	s28 =	sand.u32 $0xFFFFFE00, s17;
	s22 =	sshll.u32 s16, $0x2;
	s16 =	sld [smem:$0x7C0]  }
0x151: {  	v3 =	vmul.f32 v4, v3;
	v43 =	vld [tilespmem:s15+$0x8A00];
	s15 =	sshra.s32 s14, $0x2;
	s1 =	sor.u32 s22, s28;
	s28 =	sld [smem:$0x7BE]  }
0x152: {  	v35 =	vld [tilespmem:s26+$0x8980];
	s22 =	sadd.s32 s25, s21;
	s26 =	sshra.s32 s23, $0x2;
	s23 =	sld [smem:$0x7C1]  }
0x153: {  	v2 =	vadd.f32 v3, v2;
	v3 =	vmul.f32 v6, v5;
	v40 =	vld [tilespmem:s22+$0xA00];
	s30 =	sadd.s32 s25, s26;
	s22 =	sld [smem:$0x7C7];
	s17 =	sshra.s32 s16, $0x2  }
0x154: {  	v41 =	vld [tilespmem:s30+$0x8A00];
	s30 =	spop (v2sf);
	s16 =	sadd.s32 s25, s15;
	s29 =	sshra.s32 s28, $0x2  }
0x155: {  	v19 =	vld [tilespmem:s11+$0x8880];
	v2 =	vadd.f32 v3, v2;
	v3 =	vmul.f32 v8, v7;
	s18 =	sadd.s32 s25, s17;
	s19 =	sand.u32 $0x7F, s30;
	s17 =	sld [smem:$0x7C3]  }
0x156: {  	s21 =	sshll.u32 s30, $0x2;
	s26 =	sshra.s32 s23, $0x2;
	v46 =	vld [tilespmem:s16+$0xA80];
	s16 =	sld [smem:$0x7C6]  }
0x157: {  	v37 =	vld [tilespmem:s31+$0x8A00];
	v2 =	vadd.f32 v3, v2;
	v3 =	vmul.f32 v12, v9;
	s28 =	sshll.u32 s19, $0x2;
	s12 =	sadd.s32 s25, s26;
	s19 =	sld [smem:$0x7C4]  }
0x158: {  	s0 =	sadd.s32 s25, s0;
	s11 =	sand.u32 $0xFFFFFE00, s21;
	v45 =	vld [tilespmem:s12+$0x8A80];
	s12 =	sld [smem:$0x7C5]  }
0x159: {  	v2 =	vadd.f32 v3, v2;
	v3 =	vmul.f32 v13, v10;
	v39 =	vld [tilespmem:s0+$0x8A00];
	s31 =	sadd.s32 s25, s29;
	s0 =	sor.u32 s28, s11;
	s28 =	sld [smem:$0x7C8]  }
0x15a: {  	v44 =	vld [tilespmem:s18+$0xA80];
	s18 =	sshra.s32 s17, $0x2;
	s17 =	sshra.s32 s16, $0x2;
	s21 =	sshra.s32 s19, $0x2  }
0x15b: {  	v2 =	vadd.f32 v3, v2;
	v3 =	vmul.f32 v15, v14;
	v42 =	vld [tilespmem:s31+$0xA00];
	s23 =	sadd.s32 s25, s18;
	s18 =	sadd.s32 $0x10, s20;
	s19 =	sadd.s32 s25, s17  }
0x15c: {  	s26 =	sadd.s32 s25, s21;
	s14 =	sshra.s32 s12, $0x2;
	v47 =	vld [tilespmem:s23+$0x8A80];
	s21 =	sand.u32 $0x7F, s18  }
0x15d: {  	v2 =	vadd.f32 v3, v2;
	v3 =	vmul.f32 v17, v16;
	s31 =	sshll.u32 s18, $0x2;
	s23 =	sshra.s32 s22, $0x2;
	v50 =	vld [tilespmem:s19+$0xA80];
	s12 =	sld [smem:$0x7C9]  }
0x15e: {  	s19 =	sld [smem:$0x7CB];
	s15 =	sadd.s32 s25, s14;
	v48 =	vld [tilespmem:s26+$0xA80];
	s26 =	sand.u32 $0xFFFFFE00, s31  }
0x15f: {  	v2 =	vadd.f32 v3, v2;
	v3 =	vmul.f32 v19, v18;
	s29 =	sshll.u32 s21, $0x2;
	s21 =	sadd.s32 s25, s23;
	v49 =	vld [tilespmem:s15+$0x8A80];
	s15 =	sld [smem:$0x7CA]  }
0x160: {  	s22 =	sor.u32 s29, s26;
	s29 =	sshra.s32 s28, $0x2;
	s28 =	sld [smem:$0x7D5]  }
0x161: {  	v2 =	vadd.f32 v3, v2;
	v3 =	vmul.f32 v21, v20;
	s31 =	sadd.s32 s25, s29;
	s23 =	sshra.s32 s19, $0x2;
	s19 =	sld [smem:$0x7CE]  }
0x162: {  	s14 =	sshra.s32 s12, $0x2;
	v52 =	vld [tilespmem:s31+$0xB00];
	s31 =	sld [smem:$0x7CC]  }
0x163: {  	v2 =	vadd.f32 v3, v2;
	v3 =	vmul.f32 v23, v22;
	s17 =	sadd.s32 s25, s14;
	s26 =	sadd.s32 s25, s23;
	s16 =	sshra.s32 s15, $0x2  }
0x164: {  	s14 =	sadd.s32 $0x10, s30;
	v53 =	vld [tilespmem:s17+$0x8B00];
	s17 =	sld [smem:$0x7CD];
	s18 =	sadd.s32 s25, s16  }
0x165: {  	v2 =	vadd.f32 v3, v2;
	v3 =	vmul.f32 v25, v24;
	s16 =	sand.u32 $0x7F, s14;
	s23 =	sshra.s32 s19, $0x2;
	s12 =	sshra.s32 s31, $0x2  }
0x166: {  	v51 =	vld [tilespmem:s21+$0x8A80];
	s31 =	sshll.u32 s14, $0x2;
	s29 =	sshll.u32 s16, $0x2;
	s14 =	sld [smem:$0x7D0]  }
0x167: {  	v2 =	vadd.f32 v3, v2;
	v3 =	vmul.f32 v27, v26;
	v55 =	vld [tilespmem:s26+$0x8B00];
	s26 =	sadd.s32 s25, s23;
	s15 =	sadd.s32 s25, s12;
	s31 =	sand.u32 $0xFFFFFE00, s31  }
0x168: {  	v54 =	vld [tilespmem:s18+$0xB00];
	s18 =	sshra.s32 s17, $0x2;
	s31 =	sor.u32 s29, s31;
	s29 =	sld [smem:$0x7CF]  }
0x169: {  	v2 =	vadd.f32 v3, v2;
	v3 =	vmul.f32 v29, v28;
	v56 =	vld [tilespmem:s15+$0xB00];
	s21 =	sadd.s32 s25, s18;
	s18 =	sld [smem:$0x7D1];
	s15 =	sshra.s32 s14, $0x2  }
0x16a: {  	s14 =	sadd.s32 $0x20, s20;
	s20 =	sadd.s32 $0x30, s20;
	s17 =	sadd.s32 s25, s15  }
0x16b: {  	v2 =	vadd.f32 v3, v2;
	v3 =	vmul.f32 v31, v30;
	v58 =	vld [tilespmem:s26+$0xB00];
	s26 =	sshll.u32 s14, $0x2;
	s12 =	sshra.s32 s29, $0x2;
	s29 =	sld [smem:$0x7D2]  }
0x16c: {  	s19 =	sshra.s32 s18, $0x2;
	v60 =	vld [tilespmem:s17+$0xB80];
	s17 =	sld [smem:$0x7D3];
	s26 =	sand.u32 $0xFFFFFE00, s26  }
0x16d: {  	v2 =	vadd.f32 v3, v2;
	v3 =	vmul.f32 v33, v32;
	s16 =	sadd.s32 s25, s12;
	s23 =	sadd.s32 s25, s19;
	s19 =	sld [smem:$0x7D4]  }
0x16e: {  	v59 =	vld [tilespmem:s16+$0x8B00];
	s16 =	sand.u32 $0x7F, s14;
	s14 =	sld [smem:$0x7D6];
	s12 =	sshra.s32 s29, $0x2  }
0x16f: {  	v2 =	vadd.f32 v3, v2;
	v3 =	vmul.f32 v35, v34;
	v57 =	vld [tilespmem:s21+$0x8B00];
	s18 =	sshra.s32 s17, $0x2;
	s29 =	sshll.u32 s16, $0x2;
	s15 =	sadd.s32 s25, s12  }
0x170: {  	v61 =	vld [tilespmem:s23+$0x8B80];
	s29 =	sor.u32 s29, s26;
	s21 =	sadd.s32 s25, s18;
	s23 =	sshra.s32 s19, $0x2  }
0x171: {  	v2 =	vadd.f32 v3, v2;
	v3 =	vmul.f32 v37, v36;
	s12 =	sshra.s32 s28, $0x2;
	s28 =	sld [smem:$0x7D8];
	v62 =	vld [tilespmem:s15+$0xB80];
	s26 =	sadd.s32 s25, s23  }
0x172: {  	s18 =	sld [smem:$0x7D7];
	s15 =	sshra.s32 s14, $0x2;
	s16 =	sadd.s32 s25, s12;
	v12 =	vld [tilespmem:s26+$0xB80]  }
0x173: {  	v2 =	vadd.f32 v3, v2;
	v3 =	vmul.f32 v39, v38;
	s14 =	sadd.s32 $0x20, s30;
	s17 =	sadd.s32 s25, s15;
	v13 =	vld [tilespmem:s16+$0x8B80];
	s26 =	sld [smem:$0x7DA]  }
0x174: {  	s16 =	sand.u32 $0x7F, s14;
	s12 =	sshra.s32 s28, $0x2;
	v14 =	vld [tilespmem:s17+$0xB80];
	s17 =	sld [smem:$0x7D9]  }
0x175: {  	v2 =	vadd.f32 v3, v2;
	v3 =	vmul.f32 v41, v40;
	s19 =	sshra.s32 s18, $0x2;
	s28 =	sshll.u32 s16, $0x2;
	s15 =	sadd.s32 s25, s12  }
0x176: {  	s23 =	sadd.s32 s25, s19;
	s19 =	sshll.u32 s14, $0x2;
	v16 =	vld [tilespmem:s15+$0xC00];
	s15 =	sld [smem:$0x7DB]  }
0x177: {  	v2 =	vadd.f32 v3, v2;
	v3 =	vmul.f32 v43, v42;
	s19 =	sand.u32 $0xFFFFFE00, s19;
	s18 =	sshra.s32 s17, $0x2;
	s17 =	sld [smem:$0x7DC]  }
0x178: {  	s12 =	sshra.s32 s26, $0x2;
	s26 =	sld [smem:$0x7DD];
	s28 =	sor.u32 s28, s19  }
0x179: {  	v63 =	vld [tilespmem:s21+$0x8B80];
	v2 =	vadd.f32 v3, v2;
	v3 =	vmul.f32 v45, v44;
	s14 =	sadd.s32 s25, s12;
	s16 =	sshra.s32 s15, $0x2;
	s15 =	sld [smem:$0x7DE]  }
0x17a: {  	v15 =	vld [tilespmem:s23+$0x8B80];
	s19 =	sld [smem:$0x7DF];
	s23 =	sadd.s32 s25, s18;
	s18 =	sshra.s32 s17, $0x2  }
0x17b: {  	v2 =	vadd.f32 v3, v2;
	v3 =	vmul.f32 v47, v46;
	v17 =	vld [tilespmem:s23+$0x8C00];
	s12 =	sshra.s32 s26, $0x2;
	s21 =	sadd.s32 s25, s16;
	s23 =	sadd.s32 s25, s18  }
0x17c: {  	s18 =	sand.u32 $0x7F, s20;
	s20 =	sshll.u32 s20, $0x2;
	s16 =	sshra.s32 s15, $0x2  }
0x17d: {  	v2 =	vadd.f32 v3, v2;
	v3 =	vmul.f32 v49, v48;
	s20 =	sand.u32 $0xFFFFFE00, s20;
	s26 =	sshll.u32 s18, $0x2;
	s15 =	sld [smem:$0x7E1]  }
0x17e: {  	v18 =	vld [tilespmem:s14+$0xC00];
	s17 =	sadd.s32 s25, s16;
	s20 =	sor.u32 s26, s20;
	s26 =	sld [smem:$0x7E0]  }
0x17f: {  	v2 =	vadd.f32 v3, v2;
	v3 =	vmul.f32 v51, v50;
	v22 =	vld [tilespmem:s17+$0xC00];
	s17 =	sld [smem:$0x7E2]  }
0x180: {  	s14 =	sadd.s32 s25, s12;
	v20 =	vld [tilespmem:s23+$0xC00];
	s23 =	sshra.s32 s19, $0x2  }
0x181: {  	v2 =	vadd.f32 v3, v2;
	v3 =	vmul.f32 v53, v52;
	s19 =	sadd.s32 s25, s23;
	s16 =	sshra.s32 s15, $0x2;
	s12 =	sshra.s32 s26, $0x2  }
0x182: {  	v21 =	vld [tilespmem:s14+$0x8C00];
	s23 =	sadd.s32 s25, s16;
	s18 =	sshra.s32 s17, $0x2;
	s17 =	sld [smem:$0x7E4]  }
0x183: {  	v2 =	vadd.f32 v3, v2;
	v3 =	vmul.f32 v55, v54;
	s14 =	sadd.s32 s25, s12;
	v25 =	vld [tilespmem:s23+$0x8C80];
	s23 =	sld [smem:$0x7E5]  }
0x184: {  	v24 =	vld [tilespmem:s14+$0xC80];
	s14 =	sld [smem:$0x7E3]  }
0x185: {  	s26 =	sld [smem:$0x7E9];
	v2 =	vadd.f32 v3, v2;
	v3 =	vmul.f32 v57, v56;
	s12 =	sadd.s32 s25, s18  }
0x186: {  	v26 =	vld [tilespmem:s12+$0xC80];
	s12 =	sld [smem:$0x7E6];
	s18 =	sshra.s32 s17, $0x2  }
0x187: {  	v2 =	vadd.f32 v3, v2;
	v3 =	vmul.f32 v59, v58;
	s11 =	sshra.s32 s23, $0x2;
	s17 =	sld [smem:$0x7E8];
	s15 =	sshra.s32 s14, $0x2  }
0x188: {  	v19 =	vld [tilespmem:s21+$0x8C00];
	s21 =	sadd.s32 s25, s18;
	s16 =	sadd.s32 s25, s15;
	s15 =	sld [smem:$0x7E7]  }
0x189: {  	v2 =	vadd.f32 v3, v2;
	v3 =	vmul.f32 v61, v60;
	s14 =	sshra.s32 s12, $0x2;
	s12 =	sshra.s32 s26, $0x2;
	s26 =	sld [smem:$0x7EC]  }
0x18a: {  	v23 =	vld [tilespmem:s19+$0x8C00];
	s18 =	sadd.s32 s25, s11;
	s19 =	sadd.s32 s25, s14;
	s14 =	sld [smem:$0x7EA]  }
0x18b: {  	v29 =	vld [tilespmem:s18+$0x8C80];
	v2 =	vadd.f32 v3, v2;
	v3 =	vmul.f32 v63, v62;
	s18 =	sadd.s32 s25, s12;
	s12 =	sld [smem:$0x7ED]  }
0x18c: {  	v27 =	vld [tilespmem:s16+$0x8C80];
	s16 =	sshra.s32 s15, $0x2;
	s11 =	sshra.s32 s26, $0x2;
	s26 =	sld [smem:$0x7EF]  }
0x18d: {  	v28 =	vld [tilespmem:s21+$0xC80];
	v2 =	vadd.f32 v3, v2;
	v3 =	vmul.f32 v13, v12;
	s21 =	sadd.s32 s25, s16;
	s16 =	sld [smem:$0x7EB]  }
0x18e: {  	s15 =	sshra.s32 s14, $0x2;
	s14 =	sshra.s32 s12, $0x2;
	s12 =	sld [smem:$0x7F0]  }
0x18f: {  	s23 =	sshra.s32 s17, $0x2;
	v30 =	vld [tilespmem:s19+$0xC80];
	v2 =	vadd.f32 v3, v2;
	v3 =	vmul.f32 v15, v14;
	s19 =	sadd.s32 s25, s15;
	s15 =	sld [smem:$0x7EE]  }
0x190: {  	s17 =	sadd.s32 s25, s23;
	v31 =	vld [tilespmem:s21+$0x8C80];
	s21 =	sadd.s32 s25, s11;
	s23 =	sshra.s32 s16, $0x2  }
0x191: {  	s11 =	sshra.s32 s26, $0x2;
	s26 =	sld [smem:$0x7F3];
	v2 =	vadd.f32 v3, v2;
	v3 =	vmul.f32 v17, v16;
	s16 =	sadd.s32 s25, s23  }
0x192: {  	s23 =	sshra.s32 s15, $0x2;
	s15 =	sshra.s32 s12, $0x2;
	s12 =	sld [smem:$0x7F2]  }
0x193: {  	v32 =	vld [tilespmem:s17+$0xD00];
	s17 =	sadd.s32 s25, s14;
	v2 =	vadd.f32 v3, v2;
	v3 =	vmul.f32 v19, v18;
	s14 =	sadd.s32 s25, s23;
	s23 =	sld [smem:$0x7F1]  }
0x194: {  	_ = 	snop  }
0x195: {  	(v2sf) =	vpush v1, $0xF;
	v1 =	vld [tilespmem:s18+$0x8D00];
	s18 =	sadd.s32 s25, s11;
	s26 =	sshra.s32 s26, $0x2;
	v2 =	vadd.f32 v3, v2;
	v3 =	vmul.f32 v21, v20  }
0x196: {  	s11 =	sshra.s32 s23, $0x2;
	s23 =	sshra.s32 s12, $0x2;
	s12 =	sld [smem:$0x7F4]  }
0x197: {  	v34 =	vld [tilespmem:s21+$0xD00];
	s21 =	sadd.s32 s25, s26;
	s26 =	sld [smem:$0x7F5];
	v2 =	vadd.f32 v3, v2;
	v3 =	vmul.f32 v23, v22;
	_ =	sdelay $0x1  }
0x198: {  	(v2sf) =	vpush v0, $0xF;
	v0 =	vld [tilespmem:s16+$0x8D00];
	s16 =	sadd.s32 s25, s23;
	v2 =	vadd.f32 v3, v2;
	v3 =	vmul.f32 v25, v24;
	s23 =	sshra.s32 s12, $0x2  }
0x199: {  	s12 =	sadd.s32 s25, s23;
	s23 =	sshra.s32 s26, $0x2;
	s26 =	sld [smem:$0x7F6]  }
0x19a: {  	v2 =	vadd.f32 v3, v2;
	v3 =	vmul.f32 v27, v26  }
0x19b: {  	v33 =	vld [tilespmem:s19+$0xD00]  }
0x19c: {  	v35 =	vld [tilespmem:s17+$0x8D00];
	s17 =	sadd.s32 s25, s23;
	s23 =	sld [smem:$0x7F7];
	v2 =	vadd.f32 v3, v2;
	v3 =	vmul.f32 v29, v28;
	s26 =	sshra.s32 s26, $0x2  }
0x19d: {  	s9 =	sshra.s32 s9, $0x2;
	v36 =	vld [tilespmem:s14+$0xD00];
	s14 =	sadd.s32 s25, s26;
	s26 =	sld [smem:$0x7F8]  }
0x19e: {  	s10 =	sshra.s32 s10, $0x2;
	s8 =	sshra.s32 s8, $0x2;
	s7 =	sshra.s32 s7, $0x2;
	v2 =	vadd.f32 v3, v2;
	v3 =	vmul.f32 v31, v30  }
0x19f: {  	s6 =	sshra.s32 s6, $0x2;
	s19 =	sadd.s32 s25, s15;
	s15 =	sadd.s32 s25, s11  }
0x1a0: {  	v1 =	vmul.f32 v1, v32;
	v37 =	vld [tilespmem:s19+$0xD80];
	s11 =	sshra.s32 s23, $0x2;
	v2 =	vadd.f32 v3, v2;
	s23 =	sshra.s32 s26, $0x2;
	s26 =	sld [smem:$0x7F9]  }
0x1a1: {  	s10 =	sadd.s32 s25, s10;
	s5 =	sshra.s32 s5, $0x2;
	s13 =	sshra.s32 s13, $0x2;
	v3 =	vld [tilespmem:s18+$0x8D00]  }
0x1a2: {  	s13 =	sadd.s32 s25, s13;
	s4 =	sshra.s32 s4, $0x2;
	s3 =	sshra.s32 s3, $0x2;
	v39 =	vld [tilespmem:s21+$0x8D80];
	v0 =	vmul.f32 v0, v33;
	v1 =	vadd.f32 v1, v2  }
0x1a3: {  	s4 =	sadd.s32 s25, s4;
	s3 =	sadd.s32 s25, s3;
	v2 =	vld [tilespmem:s15+$0x8D80];
	s26 =	sshra.s32 s26, $0x2  }
0x1a4: {  	s2 =	sshra.s32 s2, $0x2;
	v38 =	vld [tilespmem:s16+$0xD80];
	s19 =	sadd.s32 s25, s26;
	s26 =	sld [smem:$0x7FB];
	v0 =	vadd.f32 v0, v1;
	v1 =	vmul.f32 v35, v34  }
0x1a5: {  	s21 =	sadd.s32 s25, s7;
	v40 =	vld [tilespmem:s12+$0xD80];
	s18 =	sadd.s32 s25, s23;
	s23 =	sld [smem:$0x7FA]  }
0x1a6: {  	s7 =	sadd.s32 $0x30, s30;
	s12 =	sadd.s32 s25, s8;
	s11 =	sadd.s32 s25, s11;
	v41 =	vld [tilespmem:s14+$0xD80];
	v0 =	vadd.f32 v1, v0;
	v1 =	vmul.f32 v3, v36  }
0x1a7: {  	s14 =	sadd.s32 s25, s5;
	s5 =	spop (v2sf);
	v3 =	vld [tilespmem:s17+$0x8D80];
	s26 =	sshra.s32 s26, $0x2  }
0x1a8: {  	v42 =	vld [tilespmem:s18+$0xE00];
	s23 =	sshra.s32 s23, $0x2;
	s15 =	sadd.s32 s25, s26;
	s26 =	sld [smem:$0x7FC];
	v0 =	vadd.f32 v1, v0;
	v1 =	vmul.f32 v2, v37  }
0x1a9: {  	s8 =	sand.u32 $0x7F, s7;
	s18 =	sshll.u32 s5, $0x2;
	s23 =	sadd.s32 s25, s23;
	v2 =	vld [tilespmem:s11+$0x8D80]  }
0x1aa: {  	v46 =	vld [tilespmem:s10+$0xE00];
	s17 =	sadd.s32 s25, s6;
	s6 =	sshll.u32 s7, $0x2;
	s11 =	sand.u32 $0x7F, s5;
	v0 =	vadd.f32 v1, v0;
	v1 =	vmul.f32 v39, v38  }
0x1ab: {  	v43 =	vld [tilespmem:s19+$0x8E00];
	s6 =	sand.u32 $0xFFFFFE00, s6;
	s19 =	sshll.u32 s11, $0x2;
	s26 =	sshra.s32 s26, $0x2  }
0x1ac: {  	v44 =	vld [tilespmem:s23+$0xE00];
	s16 =	sadd.s32 s25, s26;
	s26 =	sadd.s32 s25, s9;
	s9 =	sshll.u32 s8, $0x2;
	v0 =	vadd.f32 v1, v0;
	v1 =	vmul.f32 v3, v40  }
0x1ad: {  	s8 =	sand.u32 $0xFFFFFE00, s18;
	v3 =	vld [tilespmem:s15+$0x8E00];
	s7 =	sor.u32 s9, s6;
	s6 =	spop (v2sf)  }
0x1ae: {  	s8 =	sor.u32 s19, s8;
	s19 =	sadd.s32 $0x10, s5;
	v45 =	vld [tilespmem:s16+$0xE00];
	s30 =	sand.u32 $0x7F, s6;
	v0 =	vadd.f32 v1, v0;
	v1 =	vmul.f32 v2, v41  }
0x1af: {  	s18 =	sshll.u32 s6, $0x2;
	v2 =	vld [tilespmem:s26+$0x8E00];
	s26 =	sadd.s32 $0x10, s6;
	s9 =	sshll.u32 s30, $0x2  }
0x1b0: {  	v50 =	vld [tilespmem:s13+$0xE80];
	s30 =	sand.u32 $0x7F, s26;
	s16 =	sshll.u32 s26, $0x2;
	s26 =	sld [smem:$0x7FD];
	v0 =	vadd.f32 v1, v0;
	v1 =	vmul.f32 v43, v42  }
0x1b1: {  	s1 =	sshra.s32 s1, $0x2;
	v47 =	vld [tilespmem:s12+$0x8E00];
	s15 =	sshll.u32 s19, $0x2;
	s11 =	sand.u32 $0xFFFFFE00, s18  }
0x1b2: {  	v48 =	vld [tilespmem:s21+$0xE80];
	s23 =	sand.u32 $0x7F, s19;
	s15 =	sand.u32 $0xFFFFFE00, s15;
	s9 =	sor.u32 s9, s11;
	v0 =	vadd.f32 v1, v0;
	v1 =	vmul.f32 v3, v44  }
0x1b3: {  	s11 =	sshll.u32 s23, $0x2;
	s18 =	sand.u32 $0xFFFFFE00, s16;
	v3 =	vld [tilespmem:s17+$0x8E80];
	s16 =	sshra.s32 s26, $0x2  }
0x1b4: {  	v49 =	vld [tilespmem:s14+$0xE80];
	s10 =	sor.u32 s11, s15;
	s11 =	sshll.u32 s30, $0x2;
	s30 =	sadd.s32 s25, s16;
	v0 =	vadd.f32 v1, v0;
	v1 =	vmul.f32 v2, v45  }
0x1b5: {  	s2 =	sadd.s32 s25, s2;
	s1 =	sadd.s32 s25, s1;
	s0 =	sshra.s32 s0, $0x2;
	v2 =	vld [tilespmem:s30+$0x8E80]  }
0x1b6: {  	s0 =	sadd.s32 s25, s0;
	v51 =	vld [tilespmem:s4+$0x8E80];
	s4 =	sshra.s32 s22, $0x2;
	s20 =	sshra.s32 s20, $0x2;
	v0 =	vadd.f32 v1, v0;
	v1 =	vmul.f32 v47, v46  }
0x1b7: {  	s13 =	sadd.s32 s25, s4;
	v52 =	vld [tilespmem:s3+$0xE80];
	s21 =	sadd.s32 s25, s20;
	s14 =	sshra.s32 s31, $0x2  }
0x1b8: {  	v54 =	vld [tilespmem:s13+$0xF00];
	s19 =	sadd.s32 $0x20, s5;
	s7 =	sshra.s32 s7, $0x2;
	s13 =	sadd.s32 $0x20, s6;
	v0 =	vadd.f32 v1, v0;
	v1 =	vmul.f32 v3, v48  }
0x1b9: {  	s5 =	sadd.s32 $0x30, s5;
	s20 =	sadd.s32 $0x30, s6;
	s23 =	sand.u32 $0x7F, s19;
	v3 =	vld [tilespmem:s2+$0x8E80]  }
0x1ba: {  	v53 =	vld [tilespmem:s1+$0xF00];
	s22 =	sadd.s32 s25, s7;
	s15 =	sshll.u32 s19, $0x2;
	s12 =	sshll.u32 s23, $0x2;
	v0 =	vadd.f32 v1, v0;
	v1 =	vmul.f32 v2, v49  }
0x1bb: {  	s23 =	sshra.s32 s8, $0x2;
	s11 =	sor.u32 s11, s18;
	s15 =	sand.u32 $0xFFFFFE00, s15;
	v2 =	vld [tilespmem:s0+$0x8F00]  }
0x1bc: {  	s12 =	sor.u32 s12, s15;
	s15 =	sshra.s32 s29, $0x2;
	s16 =	sadd.s32 s25, s14;
	v0 =	vadd.f32 v1, v0;
	v1 =	vmul.f32 v51, v50  }
0x1bd: {  	s18 =	sshra.s32 s28, $0x2;
	s26 =	sadd.s32 s25, s23;
	s17 =	sadd.s32 s25, s15;
	v55 =	vld [tilespmem:s16+$0x8F00]  }
0x1be: {  	s28 =	sshra.s32 s9, $0x2;
	s9 =	sshll.u32 s13, $0x2;
	s19 =	sadd.s32 s25, s18;
	v56 =	vld [tilespmem:s17+$0xF00];
	v0 =	vadd.f32 v1, v0;
	v1 =	vmul.f32 v3, v52  }
0x1bf: {  	s29 =	sshra.s32 s10, $0x2;
	s10 =	sshra.s32 s11, $0x2;
	s18 =	sand.u32 $0x7F, s5;
	v3 =	vld [tilespmem:s19+$0x8F00]  }
0x1c0: {  	v57 =	vld [tilespmem:s22+$0x8F00];
	s5 =	sshll.u32 s5, $0x2;
	s30 =	sadd.s32 s25, s28;
	s15 =	sand.u32 $0x7F, s13;
	v0 =	vadd.f32 v1, v0;
	v1 =	vmul.f32 v2, v53  }
0x1c1: {  	s31 =	sadd.s32 s25, s29;
	s16 =	sand.u32 $0xFFFFFE00, s9;
	s8 =	sshll.u32 s15, $0x2;
	v2 =	vld [tilespmem:s21+$0xF00]  }
0x1c2: {  	v58 =	vld [tilespmem:s26+$0xF80];
	s11 =	sadd.s32 s25, s10;
	s12 =	sshra.s32 s12, $0x2;
	s17 =	sor.u32 s8, s16;
	v0 =	vadd.f32 v1, v0;
	v1 =	vmul.f32 v55, v54  }
0x1c3: {  	s4 =	sshll.u32 s18, $0x2;
	s14 =	sadd.s32 s25, s12;
	v59 =	vld [tilespmem:s30+$0x8F80];
	s22 =	sshra.s32 s17, $0x2  }
0x1c4: {  	v60 =	vld [tilespmem:s31+$0xF80];
	s19 =	sand.u32 $0xFFFFFE00, s5;
	s5 =	sshll.u32 s20, $0x2;
	s21 =	sand.u32 $0x7F, s20;
	v0 =	vadd.f32 v1, v0;
	v1 =	vmul.f32 v3, v56  }
0x1c5: {  	s3 =	sor.u32 s4, s19;
	s23 =	sand.u32 $0xFFFFFE00, s5;
	s4 =	sshll.u32 s21, $0x2;
	v3 =	vld [tilespmem:s11+$0x8F80]  }
0x1c6: {  	v61 =	vld [tilespmem:s14+$0xF80];
	s0 =	sadd.s32 s25, s22;
	s26 =	sshra.s32 s3, $0x2;
	s1 =	sor.u32 s4, s23;
	v0 =	vadd.f32 v1, v0;
	v1 =	vmul.f32 v57, v2  }
0x1c7: {  	s28 =	sadd.s32 s25, s26;
	s1 =	sshra.s32 s1, $0x2;
	v2 =	vld [tilespmem:s0+$0x8F80]  }
0x1c8: {  	v62 =	vld [tilespmem:s28+$0xF80];
	s29 =	sadd.s32 s25, s1;
	v0 =	vadd.f32 v1, v0;
	v1 =	vmul.f32 v59, v58  }
0x1c9: {  	v63 =	vld [tilespmem:s29+$0x8F80]  }
0x1ca: {  	v0 =	vadd.f32 v1, v0;
	v1 =	vmul.f32 v3, v60  }
0x1cb: {  	p1 =	sne.s32 s24, $0x1E000  }
.Ltmp0:
0x1cc: {  	v0 =	vadd.f32 v1, v0;
	v1 =	vmul.f32 v2, v61;
	(pc) =	sbr.rel @p1 .LBB2_3-.Ltmp0, $4  }
0x1cd: {  	_ = 	snop  }
0x1ce: {  	s30 =	rddreg [dreg:$0xc];
	v0 =	vadd.f32 v1, v0;
	v1 =	vmul.f32 v63, v62  }
0x1cf: {  	s31 =	rddreg [dreg:$0xd]  }
0x1d0: {  	s24 =	sadd.s32 $0x2000, s24;
	s1 =	sadd.s32 $0x10, s30;
	s0 =	sadd.s32 $0x10, s31;
	v2 =	vadd.f32 v1, v0  }
.Ltmp1:
0x1d1: {  	(pc) =	sbr.rel @p0 .LBB2_2-.Ltmp1, $2  }
0x1d2: {  	_ =	sdelay $0x2  }
0x1d3: {  	s0 =	simm.s32 $0x100;
	p1 =	por $0x0, $0x0  }
0x1d4: {  	[tilespmem:$0x10800] =	vst v2;
	s6 =	simm.s32 $0x0;
	s0 =	rddreg [dreg:$0x9];
	s1 =	simm.s32 $0x10800  }
0x1d5: {  	[hbm4b:s0+s6] =	stream.linear.scatter [tilespmem:s1], [sflag:$0x3], $0x10, $0x38;
	[tilespmem:$0x10880] =	vst v63  }
0x1d6: {  	s1 =	simm.s32 $0x3  }
0x1d7: {  	_ =	swait.ge [sflag:s1], $0x10  }
0x1d8: {  	s2 =	rddreg [dreg:$0xb]  }
0x1d9: {  	s31 =	rddreg [dreg:$0xa];
	s2 =	sadd.s32 $0x1, s2  }
0x1da: {  	p0 =	sne.s32 s2, s31  }
.Ltmp2:
0x1db: {  	_ = 	snop;
	(pc) =	sbr.rel @p0 .LBB2_1-.Ltmp2, $3  }
0x1dc: {  	_ =	sdelay $0x1  }
0x1dd: {  	[sflag:s1] =	ssyncset.done $0x0  }
0x1de: {  	[sflag:s1] =	ssyncadd.s32 $0xFFFFFFF0  }
0x1df: {  	_ =	sfence.sel $0x180000  }
0x1e0: {  	[bflag:$0x0] =	sbarrier.arrive $0xFFFF  }
0x1e1: {  	_ =	strace $0x90000047  }
0x1e2: {  	s0 =	stileid.u32;
	[bflag:$0x2] =	sbarrier.arrive $0xFFFF  }
0x1e3: {  	p0 =	sne.s32 s0, $0x0;
	s0 =	rddreg [dreg:$0x2]  }
0x1e4: {  	s0 =	sadd.s32 @!p0 $0x100000, s0  }
0x1e5: {  	[sflag:s0] =	ssyncadd.tile.s32 @!p0 $0x1;
	_ =	shalt  }
.Lfunc_end2:
_tile_overlayer_lowered:
.L_overlay_start_2:
0x1e6: {  	(tag) =	ssettag $0x2  }
0x1e7: {  	s0 =	rddreg [dreg:$0x0];
	s2 =	stileid.u32  }
0x1e8: {  	s1 =	rddreg [dreg:$0x1];
	p0 =	sne.s32 s2, $0x0  }
0x1e9: {  	s3 =	rddreg [dreg:$0x2];
	[bflag:$0x3] =	sbarrier.arrive $0xFFFF;
	s2 =	simm.s32 @!p0 $0x1C03  }
0x1ea: {  	[timem:s3], [sflag:s2] =	dma.local @!p0 [hbm:s0], s1  }
0x1eb: {  	s0 =	simm.s32 @!p0 $0x3  }
0x1ec: {  	_ =	swait.ge @!p0 [sflag:s0], s1  }
0x1ed: {  	s1 =	ssub.s32 @!p0 $0x0, s1;
	[sflag:s0] =	ssyncset.done @!p0 $0x0  }
0x1ee: {  	[sflag:s0] =	ssyncadd.s32 @!p0 s1  }
0x1ef: {  	[bflag:$0x3] =	sbarrier.arrive $0xFFFF  }
0x1f0: {  	_ =	shalt  }

// kernel: kernel.9.cloned.1.call-start
scs
__scs_entry_jumppad:
0x0: {  	(pc) =	sbr.rel $0x88, $3  }
0x1: {  	(tag) =	ssettag $0x0;
	lr =	simm.s32 $0x1  }
0x2: {  	[smem:$0x3F9C] =	sst lr;
	_ =	strace $0xD0000000  }
0x3: {  	_ = 	snop  }
0x4: {  	_ = 	snop  }
0x5: {  	_ = 	snop  }
0x6: {  	_ = 	snop  }
0x7: {  	_ = 	snop  }
__scs_overlays_trampoline_lowered:
0x8: {  	[smem:$0x3FAB] =	sst s0  }
0x9: {  	[smem:$0x3FAC] =	sst s1  }
0xa: {  	[smem:$0x3FAD] =	sst s2  }
0xb: {  	[smem:$0x3FAE] =	sst s3  }
0xc: {  	[smem:$0x3FAF] =	sst s4  }
0xd: {  	[smem:$0x3FB0] =	sst s5  }
0xe: {  	[smem:$0x3FB1] =	sst s6  }
0xf: {  	[smem:$0x3FB2] =	sst s7  }
0x10: {  	[smem:$0x3FB3] =	sst s8  }
0x11: {  	[smem:$0x3FB4] =	sst s9;
	s0 =	simm.s32 @!p0 $0x0  }
0x12: {  	s1 =	sld [smem:$0x3F9A];
	s0 =	simm.s32 @p0 $0x1  }
0x13: {  	[smem:$0x3FB5] =	sst s0;
	s0 =	simm.s32 @!p1 $0x0  }
0x14: {  	s2 =	sld [smem:$0x3F99];
	s0 =	simm.s32 @p1 $0x1  }
0x15: {  	[smem:$0x3FB6] =	sst s0;
	s0 =	simm.s32 @!p2 $0x0  }
0x16: {  	s3 =	sld [smem:$0x3FDB];
	s0 =	simm.s32 @p2 $0x1  }
0x17: {  	s4 =	simm.s32 $0x1BF5;
	[smem:$0x3FB8] =	sst s0  }
0x18: {  	s0 =	sld [smem:$0x3F9B];
	_ =	swait.ge [sflag:s4], $0x0  }
0x19: {  	s7 =	sld [smem:$0x3F9C]  }
0x1a: {  	s8 =	sadd.s32 $0xFFFFE003, lr  }
0x1b: {  	s9 =	sadd.s32 $0xFFFFFEF7, lr;
	s5 =	simm.s32 $0xFFFFFFFF;
	p2 =	slt.u32 s8, $0xFFFFF086  }
0x1c: {  	p1 =	slt.u32 s9, $0xF7A;
	s5 =	simm.s32 @!p2 $0x0  }
0x1d: {  	s5 =	simm.s32 @p1 $0x1;
	p0 =	seq.s32 s7, s2  }
0x1e: {  	s7 =	smul.u32 @!p0 $0xF7A, s2;
	p2 =	seq.s32 @!p0 s5, $0x0  }
0x1f: {  	s9 =	smul.u32 $0xF7A, s1;
	s8 =	simm.s32 @!p0 $0x1BF5;
	p2 =	por !p2, p0  }
0x20: {  	[sflag:s8] =	ssyncset.s32 @!p0 $0xFFFFF086;
	s6 =	sadd.s32 @!p0 s3, s7;
	s7 =	simm.s32 @!p0 $0x108  }
0x21: {  	s3 =	sadd.s32 s3, s9;
	s6 =	sadd.s32 @!p0 $0x88, s6;
	s7 =	simm.s32 @p2 $0x1082  }
0x22: {  	[simem:s7], [sflag:s8] =	dma.local @!p0 [hbm:s6], $0xF7A  }
0x23: {  	s9 =	sor.u32 $0xD0000000, s2;
	s6 =	simm.s32 $0x108;
	_ =	swait.ge @!p0 [sflag:s8], $0x0  }
0x24: {  	s3 =	sadd.s32 $0x88, s3;
	s6 =	simm.s32 @!p1 $0x1082;
	[sflag:s4] =	ssyncset.s32 $0xFFFFF086  }
0x25: {  	[simem:s6], [sflag:s4] =	dma.local [hbm:s3], $0xF7A  }
0x26: {  	[smem:$0x3F9C] =	sst s1;
	(tag) =	ssettag s2;
	_ =	strace s9  }
0x27: {  	s1 =	sld [smem:$0x3FAC]  }
0x28: {  	s2 =	sld [smem:$0x3FAD]  }
0x29: {  	s4 =	sld [smem:$0x3FAF]  }
0x2a: {  	p0 =	seq.s32 s5, $0x0;
	s5 =	sld [smem:$0x3FB0]  }
0x2b: {  	s6 =	sld [smem:$0x3FB1]  }
0x2c: {  	s7 =	sld [smem:$0x3FB2]  }
0x2d: {  	s3 =	simm.s32 $0x108;
	s8 =	sld [smem:$0x3FB3]  }
0x2e: {  	s3 =	simm.s32 @!p0 $0x1082;
	s9 =	sld [smem:$0x3FB4]  }
0x2f: {  	lr =	sadd.s32 s0, s3;
	s0 =	sld [smem:$0x3FAB]  }
0x30: {  	s3 =	sld [smem:$0x3FAE]  }
0x31: {  	[smem:$0x3FB7] =	sst s10  }
0x32: {  	s10 =	sld [smem:$0x3FB5];
	_ =	sdelay $0x3  }
0x33: {  	p0 =	seq.s32 s10, $0x1;
	s10 =	sld [smem:$0x3FB7];
	_ =	sdelay $0x3  }
0x34: {  	[smem:$0x3FB7] =	sst s10  }
0x35: {  	s10 =	sld [smem:$0x3FB6];
	_ =	sdelay $0x3  }
0x36: {  	p1 =	seq.s32 s10, $0x1;
	s10 =	sld [smem:$0x3FB7];
	_ =	sdelay $0x3  }
0x37: {  	[smem:$0x3FB7] =	sst s10  }
0x38: {  	s10 =	sld [smem:$0x3FB8]  }
0x39: {  	_ = 	snop;
	(pc) =	sbr.ind lr, $3  }
0x3a: {  	_ = 	snop  }
0x3b: {  	_ = 	snop  }
0x3c: {  	p2 =	seq.s32 s10, $0x1;
	s10 =	sld [smem:$0x3FB7]  }
0x3d: {  	_ =	shalt  }
0x3e: {  	_ =	shalt  }
0x3f: {  	_ =	shalt  }
0x40: {  	_ =	shalt  }
0x41: {  	_ =	shalt  }
0x42: {  	_ =	shalt  }
0x43: {  	_ =	shalt  }
0x44: {  	_ =	shalt  }
0x45: {  	_ =	shalt  }
0x46: {  	_ =	shalt  }
0x47: {  	_ =	shalt  }
0x48: {  	_ =	shalt  }
0x49: {  	_ =	shalt  }
0x4a: {  	_ =	shalt  }
0x4b: {  	_ =	shalt  }
0x4c: {  	_ =	shalt  }
0x4d: {  	_ =	shalt  }
0x4e: {  	_ =	shalt  }
0x4f: {  	_ =	shalt  }
0x50: {  	_ =	shalt  }
0x51: {  	_ =	shalt  }
0x52: {  	_ =	shalt  }
0x53: {  	_ =	shalt  }
0x54: {  	_ =	shalt  }
0x55: {  	_ =	shalt  }
0x56: {  	_ =	shalt  }
0x57: {  	_ =	shalt  }
0x58: {  	_ =	shalt  }
0x59: {  	_ =	shalt  }
0x5a: {  	_ =	shalt  }
0x5b: {  	_ =	shalt  }
0x5c: {  	_ =	shalt  }
0x5d: {  	_ =	shalt  }
0x5e: {  	_ =	shalt  }
0x5f: {  	_ =	shalt  }
0x60: {  	_ =	shalt  }
0x61: {  	_ =	shalt  }
0x62: {  	_ =	shalt  }
0x63: {  	_ =	shalt  }
0x64: {  	_ =	shalt  }
0x65: {  	_ =	shalt  }
0x66: {  	_ =	shalt  }
0x67: {  	_ =	shalt  }
0x68: {  	_ =	shalt  }
0x69: {  	_ =	shalt  }
0x6a: {  	_ =	shalt  }
0x6b: {  	_ =	shalt  }
0x6c: {  	_ =	shalt  }
0x6d: {  	_ =	shalt  }
0x6e: {  	_ =	shalt  }
0x6f: {  	_ =	shalt  }
0x70: {  	_ =	shalt  }
0x71: {  	_ =	shalt  }
0x72: {  	_ =	shalt  }
0x73: {  	_ =	shalt  }
0x74: {  	_ =	shalt  }
0x75: {  	_ =	shalt  }
0x76: {  	_ =	shalt  }
0x77: {  	_ =	shalt  }
0x78: {  	_ =	shalt  }
0x79: {  	_ =	shalt  }
0x7a: {  	_ =	shalt  }
0x7b: {  	_ =	shalt  }
0x7c: {  	_ =	shalt  }
0x7d: {  	_ =	shalt  }
0x7e: {  	_ =	shalt  }
0x7f: {  	_ =	shalt  }
0x80: {  	_ =	shalt  }
0x81: {  	_ =	shalt  }
0x82: {  	_ =	shalt  }
0x83: {  	_ =	shalt  }
0x84: {  	_ =	shalt  }
0x85: {  	_ =	shalt  }
0x86: {  	_ =	shalt  }
0x87: {  	_ =	shalt  }
.Lfunc_end0:
.L_simem_size_0:
called_computation.1_lowered:
.L_overlay_start_0:
0x88: {  	s2 =	sld [smem:$0x3FD9]  }
0x89: {  	s3 =	sld [smem:$0x3FFE];
	_ =	sdelay $0x1  }
0x8a: {  	s1 =	srdreg.scid  }
0x8b: {  	s0 =	sand.u32 $0x1, s1  }
0x8c: {  	s17 =	sshll.u32 s0, $0xA;
	s2 =	sadd.s32 s3, s2  }
0x8d: {  	s2 =	sadd.s32 s2, s17  }
0x8e: {  	[smem:$0x3FC3] =	sst s2  }
0x8f: {  	_ = 	snop  }
0x90: {  	s2 =	sld [smem:$0x3FD0];
	(tm) =	ssettm $0x1  }
0x91: {  	s18 =	sld [smem:$0x3FFB];
	_ =	sdelay $0x3  }
0x92: {  	_ =	strace s18  }
0x93: {  	s3 =	sld [smem:$0x3FFC];
	_ =	sdelay $0x3  }
0x94: {  	_ =	strace s3  }
0x95: {  	s3 =	sld [smem:$0x3FFD];
	_ =	sdelay $0x3  }
0x96: {  	_ =	strace s3  }
0x97: {  	_ =	strace $0x8FFFFFFF  }
0x98: {  	s19 =	sld [smem:$0x3FDB];
	_ =	sdelay $0x1  }
0x99: {  	s4 =	simm.s32 $_scs_section_size  }
0x9a: {  	s5 =	simm.s32 $_size__tile_overlayer_lowered;
	s6 =	simm.s32 $_tile_overlayer_lowered  }
0x9b: {  	s22 =	simm.s32 $0x1BFF;
	s21 =	sshll.u32 s6, $0x1;
	s3 =	sadd.s32 s4, s19  }
0x9c: {  	s7 =	simm.s32 $0x0;
	s20 =	sshll.u32 s5, $0x1;
	s5 =	sadd.s32 s21, s3  }
0x9d: {  	[timem:s7], [sflag:s22] =	dma.local [hbm:s5], s20  }
0x9e: {  	_ =	swait.ge [sflag:s22], s20  }
0x9f: {  	s4 =	ssub.s32 $0x0, s20;
	[sflag:s22] =	ssyncset.done $0x0  }
0xa0: {  	[sflag:s22] =	ssyncadd.s32 s4;
	_ =	sdelay $0x1  }
0xa1: {  	s23 =	simm.s32 $0x1B8B  }
0xa2: {  	_ =	swait.ge [sflag:s23], $0x1  }
0xa3: {  	[sflag:s23] =	ssyncset.done $0x0  }
0xa4: {  	s25 =	simm.s32 $0x1B8E;
	s24 =	sld [smem:$0x3FFE];
	[sflag:s23] =	ssyncadd.s32 $0xFFFFFFFF  }
0xa5: {  	s26 =	simm.s32 $execute0_lowered;
	[smem:$0x3FD2] =	sst s25  }
0xa6: {  	s5 =	sshll.u32 s26, $0x1;
	_ =	strace $0x80000049;
	[dreg:$0x1] =	wrdreg $0xFFFFFFFF  }
0xa7: {  	s28 =	simm.s32 $_size_execute0_lowered;
	s3 =	sadd.s32 s3, s5;
	[dreg:$0x0] =	wrdreg $0x0  }
0xa8: {  	s5 =	sshll.u32 s28, $0x1;
	[dreg:$0x2] =	wrdreg s3  }
0xa9: {  	[dreg:$0x3] =	wrdreg s5  }
0xaa: {  	[dreg:$0x4] =	wrdreg $0xC0  }
0xab: {  	_ =	task [dreg:s7], $0x5FFFF  }
0xac: {  	[dreg:$0x1] =	wrdreg $0xFFFFFFFF  }
0xad: {  	[dreg:$0x0] =	wrdreg $0x60  }
0xae: {  	[dreg:$0x2] =	wrdreg s24  }
0xaf: {  	[dreg:$0x3] =	wrdreg s2  }
0xb0: {  	[dreg:$0x4] =	wrdreg $0x9  }
0xb1: {  	_ =	task.clear_ibuf [dreg:s7], $0x5FFFF;
	_ =	strace $0x90000049  }
0xb2: {  	s29 =	simm.s32 $0x9;
	_ =	strace $0x8000004B  }
0xb3: {  	_ =	swait.ge [sflag:s29], $0x1  }
0xb4: {  	[sflag:s29] =	ssyncadd.s32 $0xFFFFFFFF  }
0xb5: {  	_ =	strace $0x9000004B  }
0xb6: {  	_ =	sfence  }
0xb7: {  	s30 =	sld [smem:$0x0];
	_ =	sdelay $0x2  }
0xb8: {  	s31 =	sshll.u32 s1, $0xD;
	s1 =	sshrl.u32 s1, $0x2  }
0xb9: {  	s3 =	sand.u32 $0x4000, s31;
	s1 =	sadd.s32 s1, s30  }
0xba: {  	s0 =	sor.u32 s3, s0;
	s1 =	sshll.u32 s1, $0x11  }
0xbb: {  	s0 =	sor.u32 s1, s0  }
0xbc: {  	s0 =	sadd.s32 $0x8F2B, s0  }
0xbd: {  	[sflag:s0] =	ssyncadd.remote.s32 $0x1  }
0xbe: {  	_ =	sfence.sel $0xFFFF  }
0xbf: {  	[dreg:$0x0] =	wrdreg $0xFFFFFFFF;
	(pc) =	sbr.abs _section_cstart, $3  }
0xc0: {  	[dreg:$0x1] =	wrdreg $0xFFFFFFFF  }
0xc1: {  	_ =	task.clear_ibuf [dreg:s7], $0x2FFFF;
	_ =	strace $0x9FFFFFFF  }
0xc2: {  	(tm) =	ssettm $0x7FFFFFFF  }
0xc3: {  	_ =	shalt  }
tec
execute0_lowered:
.L_overlay_start_1:
0x0: {  	(tag) =	ssettag $0x1  }
0x1: {  	s5 =	rddreg [dreg:$0x0]  }
0x2: {  	s8 =	rddreg [dreg:$0x1]  }
0x3: {  	s0 =	rddreg [dreg:$0x2];
	s3 =	srdreg.scid  }
0x4: {  	s2 =	simm.s32 $0x0;
	s1 =	stileid.u32;
	s11 =	simm.s32 $0x3  }
0x5: {  	s12 =	simm.s32 $0x400;
	s13 =	simm.s32 $0x600;
	s14 =	simm.s32 $0x800  }
0x6: {  	s15 =	simm.s32 $0x1;
	s16 =	simm.s32 $0x2;
	s17 =	simm.s32 $0x0  }
0x7: {  	s3 =	sand.u32 $0x1, s3;
	[smem:$0x7FF] =	sst s2;
	s4 =	sshll.u32 s1, $0x7  }
0x8: {  	s6 =	sshll.u32 s3, $0x6;
	_ =	strace $0x8000004A;
	s31 =	ssub.s32 $0x2, s3  }
0x9: {  	s3 =	sadd.s32 $0x86B200, s5;
	s9 =	sor.u32 s6, s4;
	s10 =	sshrl.u32 s31, $0x1  }
0xa: {  	s4 =	sadd.s32 $0x889E00, s5;
	s7 =	sadd.s32 s9, s5;
	s5 =	sadd.s32 $0x86B400, s5  }
0xb: {  	s10 =	ssub.s32 s31, s10;
	s8 =	sadd.s32 s8, s9;
	s6 =	sadd.s32 $0x1200, s7  }
0xc: {  	s7 =	sadd.s32 $0xA00, s7;
	s9 =	smax.u32 s10, $0x1;
	s10 =	simm.s32 $0x200  }
.LBB2_1:
0xd: {  	[tilespmem:s10], [sflag:$0x3] =	stream.linear.gather [hbm4b:s6+s2], $0x200, $0x38;
	[tilespmem:$0xA00] =	vst v63  }
0xe: {  	_ =	swait.ge [sflag:s11], $0x200  }
0xf: {  	[sflag:s11] =	ssyncset.done $0x0  }
0x10: {  	[sflag:s11] =	ssyncadd.s32 $0xFFFFFE00  }
0x11: {  	[tilespmem:s12], [sflag:$0x3] =	stream.linear.gather [hbm4b:s7+s2], $0x200, $0x38;
	[tilespmem:$0xA00] =	vst v63  }
0x12: {  	_ =	swait.ge [sflag:s11], $0x200  }
0x13: {  	[sflag:s11] =	ssyncset.done $0x0  }
0x14: {  	[sflag:s11] =	ssyncadd.s32 $0xFFFFFE00  }
0x15: {  	[tilespmem:s13], [sflag:$0x1] =	stream.indirect.gather [hbm4b:s4+s10], $0x1, s10, s10, $0xb8;
	[tilespmem:$0xA00] =	vst v63  }
0x16: {  	_ = 	snop  }
0x17: {  	[tilespmem:s14], [sflag:$0x2] =	stream.indirect.gather [hbm4b:s5+s10], $0x1, s12, s10, $0xb8;
	[tilespmem:$0xA00] =	vst v63  }
0x18: {  	_ = 	snop  }
0x19: {  	[tilespmem:s2], [sflag:$0x3] =	stream.linear.gather [hbm4b:s3+s2], $0x200, $0x38;
	[tilespmem:$0xA00] =	vst v63  }
0x1a: {  	_ =	swait.ge [sflag:s11], $0x200  }
0x1b: {  	[sflag:s11] =	ssyncset.done $0x0  }
0x1c: {  	[sflag:s11] =	ssyncadd.s32 $0xFFFFFE00  }
0x1d: {  	v0 =	vld [tilespmem:$0x0];
	_ =	sdelay $0x1  }
0x1e: {  	v1 =	vld [tilespmem:$0x10];
	_ =	sdelay $0x1  }
0x1f: {  	v2 =	vld [tilespmem:$0x20]  }
0x20: {  	v0 =	vadd.f32 $0.0e+00, v0  }
0x21: {  	v3 =	vld [tilespmem:$0x30]  }
0x22: {  	v0 =	vadd.f32 v1, v0  }
0x23: {  	v1 =	vld [tilespmem:$0x40]  }
0x24: {  	v0 =	vadd.f32 v2, v0  }
0x25: {  	v2 =	vld [tilespmem:$0x50]  }
0x26: {  	v0 =	vadd.f32 v3, v0  }
0x27: {  	v3 =	vld [tilespmem:$0x60]  }
0x28: {  	v0 =	vadd.f32 v1, v0  }
0x29: {  	v1 =	vld [tilespmem:$0x70]  }
0x2a: {  	v0 =	vadd.f32 v2, v0  }
0x2b: {  	v2 =	vld [tilespmem:$0x80]  }
0x2c: {  	v0 =	vadd.f32 v3, v0  }
0x2d: {  	v3 =	vld [tilespmem:$0x90]  }
0x2e: {  	v0 =	vadd.f32 v1, v0  }
0x2f: {  	v1 =	vld [tilespmem:$0xA0]  }
0x30: {  	v0 =	vadd.f32 v2, v0  }
0x31: {  	v2 =	vld [tilespmem:$0xB0]  }
0x32: {  	v0 =	vadd.f32 v3, v0  }
0x33: {  	v3 =	vld [tilespmem:$0xC0]  }
0x34: {  	v0 =	vadd.f32 v1, v0  }
0x35: {  	v1 =	vld [tilespmem:$0xD0]  }
0x36: {  	v0 =	vadd.f32 v2, v0  }
0x37: {  	v2 =	vld [tilespmem:$0xE0]  }
0x38: {  	v0 =	vadd.f32 v3, v0  }
0x39: {  	v3 =	vld [tilespmem:$0xF0]  }
0x3a: {  	v0 =	vadd.f32 v1, v0  }
0x3b: {  	v1 =	vld [tilespmem:$0x100]  }
0x3c: {  	v0 =	vadd.f32 v2, v0  }
0x3d: {  	v2 =	vld [tilespmem:$0x110]  }
0x3e: {  	v0 =	vadd.f32 v3, v0  }
0x3f: {  	v3 =	vld [tilespmem:$0x120]  }
0x40: {  	v0 =	vadd.f32 v1, v0  }
0x41: {  	v1 =	vld [tilespmem:$0x130]  }
0x42: {  	v0 =	vadd.f32 v2, v0  }
0x43: {  	v2 =	vld [tilespmem:$0x140]  }
0x44: {  	v0 =	vadd.f32 v3, v0  }
0x45: {  	v3 =	vld [tilespmem:$0x150]  }
0x46: {  	v0 =	vadd.f32 v1, v0  }
0x47: {  	v1 =	vld [tilespmem:$0x160]  }
0x48: {  	v0 =	vadd.f32 v2, v0  }
0x49: {  	v2 =	vld [tilespmem:$0x170]  }
0x4a: {  	v0 =	vadd.f32 v3, v0  }
0x4b: {  	v3 =	vld [tilespmem:$0x180]  }
0x4c: {  	v0 =	vadd.f32 v1, v0  }
0x4d: {  	v1 =	vld [tilespmem:$0x190]  }
0x4e: {  	v0 =	vadd.f32 v2, v0  }
0x4f: {  	v2 =	vld [tilespmem:$0x1A0]  }
0x50: {  	v0 =	vadd.f32 v3, v0  }
0x51: {  	v3 =	vld [tilespmem:$0x1B0]  }
0x52: {  	v0 =	vadd.f32 v1, v0  }
0x53: {  	v1 =	vld [tilespmem:$0x1C0]  }
0x54: {  	v0 =	vadd.f32 v2, v0  }
0x55: {  	v2 =	vld [tilespmem:$0x1D0]  }
0x56: {  	v0 =	vadd.f32 v3, v0  }
0x57: {  	v3 =	vld [tilespmem:$0x1E0]  }
0x58: {  	v0 =	vadd.f32 v1, v0  }
0x59: {  	v1 =	vld [tilespmem:$0x1F0]  }
0x5a: {  	v0 =	vadd.f32 v2, v0;
	_ =	sdelay $0x1  }
0x5b: {  	v0 =	vadd.f32 v3, v0;
	_ =	sdelay $0x1  }
0x5c: {  	v0 =	vadd.f32 v1, v0;
	_ =	sdelay $0x1  }
0x5d: {  	(xrf2) =	vadd.scan.msk.f32 $0xffff, v0;
	_ =	sdelay $0x9  }
0x5e: {  	v0, _, _ =	vpop (xrf2)  }
0x5f: {  	_ =	swait.ge [sflag:s15], $0x200  }
0x60: {  	[sflag:s15] =	ssyncset.done $0x0  }
0x61: {  	[sflag:s15] =	ssyncadd.s32 $0xFFFFFE00  }
0x62: {  	_ =	swait.ge [sflag:s16], $0x200  }
0x63: {  	[sflag:s16] =	ssyncset.done $0x0  }
0x64: {  	s18 =	simm.s32 $0x0;
	[sflag:s16] =	ssyncadd.s32 $0xFFFFFE00  }
0x65: {  	s19 =	simm.s32 $0x40;
	v0 =	vbroadcast v0, $0xF;
	v1 =	vld [tilespmem:s18+$0x800]  }
.LBB2_2:
0x66: {  	p0 =	sne.s32 s19, $0x7C0;
	v2 =	vld [tilespmem:s18+$0x600];
	_ =	sdelay $0x4  }
0x67: {  	v1 =	vadd.f32 v1, v2;
	_ =	sdelay $0x1  }
0x68: {  	v1 =	vadd.f32 v1, v0;
	_ =	sdelay $0x1  }
0x69: {  	v1 =	vsub.f32 $0.0e+00, v1;
	_ =	sdelay $0x1  }
0x6a: {  	v1 =	vmul.f32 $1.442695020e+00, v1;
	_ =	sdelay $0x1  }
0x6b: {  	(erf) = vpow2.f32 v1;
	_ =	sdelay $0x8  }
0x6c: {  	v1 =	vpop (erf)  }
0x6d: {  	v1 =	vadd.f32 $1.000000000e+00, v1;
	_ =	sdelay $0x1  }
0x6e: {  	(erf) = vrcp.f32 v1;
	_ =	sdelay $0x5  }
.Ltmp0:
0x6f: {  	(pc) =	sbr.rel @p0 .LBB2_2-.Ltmp0, $3  }
0x70: {  	_ =	sdelay $0x1  }
0x71: {  	s20 =	sshra.s32 s19, $0x2;
	v2 =	vpop (erf)  }
0x72: {  	s19 =	sadd.s32 $0x40, s19;
	v1 =	vld [tilespmem:s20+$0x800];
	[tilespmem:s18+$0x600] =	vst v2;
	s18 =	smov.u32 s20  }
0x73: {  	v2 =	vld [tilespmem:s18+$0x600];
	_ =	sdelay $0x4  }
0x74: {  	v1 =	vadd.f32 v1, v2;
	_ =	sdelay $0x1  }
0x75: {  	v0 =	vadd.f32 v1, v0;
	_ =	sdelay $0x1  }
0x76: {  	v0 =	vsub.f32 $0.0e+00, v0;
	_ =	sdelay $0x1  }
0x77: {  	v0 =	vmul.f32 $1.442695020e+00, v0;
	_ =	sdelay $0x1  }
0x78: {  	(erf) = vpow2.f32 v0;
	_ =	sdelay $0x8  }
0x79: {  	v0 =	vpop (erf)  }
0x7a: {  	v0 =	vadd.f32 $1.000000000e+00, v0;
	_ =	sdelay $0x1  }
0x7b: {  	(erf) = vrcp.f32 v0;
	_ =	sdelay $0x7  }
0x7c: {  	s17 =	sadd.s32 $0x1, s17  }
0x7d: {  	p0 =	sne.s32 s17, s9;
	v0 =	vpop (erf)  }
.Ltmp1:
0x7e: {  	[tilespmem:s18+$0x600] =	vst v0;
	(pc) =	sbr.rel @p0 .LBB2_1-.Ltmp1, $4  }
0x7f: {  	[hbm4b:s8+s2] =	stream.linear.scatter [tilespmem:s13], [sflag:$0x3], $0x200, $0x38;
	[tilespmem:$0xA00] =	vst v63  }
0x80: {  	_ =	swait.ge [sflag:s11], $0x200  }
0x81: {  	[sflag:s11] =	ssyncset.done $0x0  }
0x82: {  	[sflag:s11] =	ssyncadd.s32 $0xFFFFFE00  }
0x83: {  	_ =	sfence.sel $0x180000  }
0x84: {  	[bflag:$0x0] =	sbarrier.arrive $0xFFFF  }
0x85: {  	p0 =	sne.s32 s1, $0x0;
	_ =	strace $0x9000004A  }
0x86: {  	s0 =	sadd.s32 @!p0 $0x100000, s0;
	[bflag:$0x2] =	sbarrier.arrive $0xFFFF  }
0x87: {  	[sflag:s0] =	ssyncadd.tile.s32 @!p0 $0x1;
	_ =	shalt  }
.Lfunc_end2:
_tile_overlayer_lowered:
.L_overlay_start_2:
0x88: {  	(tag) =	ssettag $0x2  }
0x89: {  	s0 =	rddreg [dreg:$0x0];
	s2 =	stileid.u32  }
0x8a: {  	s1 =	rddreg [dreg:$0x1];
	p0 =	sne.s32 s2, $0x0  }
0x8b: {  	s3 =	rddreg [dreg:$0x2];
	[bflag:$0x3] =	sbarrier.arrive $0xFFFF;
	s2 =	simm.s32 @!p0 $0x1C03  }
0x8c: {  	[timem:s3], [sflag:s2] =	dma.local @!p0 [hbm:s0], s1  }
0x8d: {  	s0 =	simm.s32 @!p0 $0x3  }
0x8e: {  	_ =	swait.ge @!p0 [sflag:s0], s1  }
0x8f: {  	s1 =	ssub.s32 @!p0 $0x0, s1;
	[sflag:s0] =	ssyncset.done @!p0 $0x0  }
0x90: {  	[sflag:s0] =	ssyncadd.s32 @!p0 s1  }
0x91: {  	[bflag:$0x3] =	sbarrier.arrive $0xFFFF  }
0x92: {  	_ =	shalt  }

</sc_bundles>
